<compile_context>
chip_gen: v7x
topology: tpu7x:2x2x1
jax: 0.10.2.dev20260603
libtpu: 0.0.44.dev20260713+nightly
codegen_flags: <defaults>
</compile_context>

<pallas_src>
import jax
import jax.numpy as jnp
import numpy as np
from jax import lax
from jax.experimental import pallas as pl
from jax.experimental.pallas import tpu as pltpu
from jax.experimental.pallas import tpu_sc as plsc

_NB_ATOMS = 256
_SPLINE_SIZE = 101
_SPLINE_RANGE = 4.0
_GRID = np.float32(2.0 * _SPLINE_RANGE / (_SPLINE_SIZE - 1))
_INV_GRID = np.float32(1.0) / _GRID
_HALF = _SPLINE_SIZE // 2

_ROWS = 65536
_NC, _NS, _L = 2, 16, 16
_NW = _NC * _NS
_RW = _ROWS // _NW
_CR = 64
_NCHUNK = _RW // _CR


def _spline_body(x_hbm, mid_hbm, dcoef_hbm, out_hbm, mtab_v, dtab_v, x_v,
                 out_v, in_sem0, in_sem1, out_sem0, out_sem1):
    wid = lax.axis_index("s") * _NC + lax.axis_index("c")
    pltpu.sync_copy(mid_hbm, mtab_v)
    pltpu.sync_copy(dcoef_hbm, dtab_v)

    lane_iota = lax.iota(jnp.int32, _L)
    inv_grid = _INV_GRID
    half_lo = np.float32(_HALF - 0.5)
    lo = np.float32(-0.5)
    hi = np.nextafter(np.float32(_SPLINE_SIZE - 3.5), np.float32(100.0),
                      dtype=np.float32)
    magic = np.float32(1.5 * 2.0 ** 23)

    in_sems = (in_sem0, in_sem1)
    out_sems = (out_sem0, out_sem1)
    wbase = wid * _RW

    def _in_copy(k, b):
        return pltpu.make_async_copy(
            x_hbm.at[pl.ds(wbase + k * _CR, _CR), :], x_v.at[b], in_sems[b])

    def _out_copy(k, b):
        return pltpu.make_async_copy(
            out_v.at[b], out_hbm.at[pl.ds(wbase + k * _CR, _CR), :],
            out_sems[b])

    _in_copy(0, 0).start()

    @pl.loop(0, _NCHUNK, step=2)
    def _chunk2(k):
        for b in range(2):
            kk = k + b

            @pl.when(kk + 1 < _NCHUNK)
            def _prefetch():
                _in_copy(kk + 1, 1 - b).start()

            _in_copy(kk, b).wait()

            @pl.when(kk >= 2)
            def _drain():
                _out_copy(kk - 2, b).wait()

            @plsc.parallel_loop(0, _CR * _NB_ATOMS, step=_L, unroll=8)
            def _vec(off):
                r = off >> 8
                c = off & (_NB_ATOMS - 1)
                xv = x_v[b, r, pl.ds(c, _L)]
                y = xv * inv_grid + half_lo
                y2 = jnp.minimum(jnp.maximum(y, lo), hi)
                z = y2 + magic
                tf = z - magic
                fr = y - tf
                zb = plsc.bitcast(z, jnp.int32)
                col = lane_iota + c
                idx = ((zb << 8) & 0x3FF00) + col
                mid = plsc.load_gather(mtab_v, [idx])
                d = plsc.load_gather(dtab_v, [idx])
                out_v[b, r, pl.ds(c, _L)] = mid + fr * d

            _out_copy(kk, b).start()

    _out_copy(_NCHUNK - 2, 0).wait()
    _out_copy(_NCHUNK - 1, 1).wait()


@jax.jit
def _spline_sc(x, mid_t, dtab_t):
    mesh = plsc.VectorSubcoreMesh(core_axis_name="c", subcore_axis_name="s")
    f = pl.kernel(
        _spline_body,
        out_type=jax.ShapeDtypeStruct((_ROWS, _NB_ATOMS), jnp.float32),
        mesh=mesh,
        scratch_types=[
            pltpu.VMEM(((_SPLINE_SIZE - 1) * _NB_ATOMS,), jnp.float32),
            pltpu.VMEM(((_SPLINE_SIZE - 1) * _NB_ATOMS,), jnp.float32),
            pltpu.VMEM((2, _CR, _NB_ATOMS), jnp.float32),
            pltpu.VMEM((2, _CR, _NB_ATOMS), jnp.float32),
            pltpu.SemaphoreType.DMA,
            pltpu.SemaphoreType.DMA,
            pltpu.SemaphoreType.DMA,
            pltpu.SemaphoreType.DMA,
        ],
        compiler_params=pltpu.CompilerParams(
            needs_layout_passes=False, use_tc_tiling_on_sc=True),
    )
    return f(x, mid_t, dtab_t)


def kernel(x, coefficients_vect):
    coefs = coefficients_vect.reshape(_NB_ATOMS, _SPLINE_SIZE)
    dtab_t = (coefs[:, 1:] - coefs[:, :-1]).T.reshape(-1)
    mid_t = (coefs[:, :-1] + np.float32(0.5) *
             (coefs[:, 1:] - coefs[:, :-1])).T.reshape(-1)
    return _spline_sc(x, mid_t, dtab_t)

# --- scband reference (transcript-rebuilt; emitter-appended) ---
"""Pipeline reference for scband-learn-prox-21534966022263 (READ-ONLY COPY).

The authoritative reference and input builder live on the scoring server;
editing this copy changes nothing except your own understanding.
"""

import jax, jax.numpy as jnp
import numpy as np

NB_ATOMS = 256
SPLINE_SIZE = 101
SPLINE_RANGE = 4.0


def setup_inputs(seed: int = 0) -> dict:
    key = jax.random.key(seed)
    k1, k2 = jax.random.split(key)
    x = jax.random.normal(k1, (65536, NB_ATOMS), dtype=jnp.float32)
    # 'identity' spline init: coefficients equal the knot locations, one copy per atom.
    grid_tensor = jnp.linspace(-SPLINE_RANGE, SPLINE_RANGE, SPLINE_SIZE, dtype=jnp.float32)
    coefficients = jnp.tile(grid_tensor[None, :], (NB_ATOMS, 1))
    # small learned perturbation so the spline is not exactly linear
    coefficients = coefficients + 0.01 * jax.random.normal(k2, coefficients.shape, dtype=jnp.float32)
    coefficients_vect = coefficients.reshape(-1)
    return {"x": x, "coefficients_vect": coefficients_vect}


def reference(x, coefficients_vect):
    size = SPLINE_SIZE
    num_activations = NB_ATOMS
    grid = jnp.float32(2.0 * SPLINE_RANGE / (size - 1))
    zero_knot_indexes = (jnp.arange(num_activations, dtype=jnp.int32) * size + size // 2)
    # clamp x into the spline support; linear extrapolation handled by fracs from raw x
    x_clamped = jnp.clip(x, -(grid * (size // 2)), grid * (size // 2 - 1))
    floored_x = jnp.floor(x_clamped / grid)
    fracs = x / grid - floored_x
    indexes = (zero_knot_indexes[None, :].astype(jnp.float32) + floored_x).astype(jnp.int32)
    # two gathers per activation into the flattened coefficient table
    c_lo = jnp.take(coefficients_vect, indexes, axis=0)
    c_hi = jnp.take(coefficients_vect, indexes + 1, axis=0)
    out = c_hi * fracs + c_lo * (1.0 - fracs)
    return out

if __name__ == "__main__":
    import jax
    _d = setup_inputs()
    print(jax.jit(kernel)(*tuple(_d.values())))

</pallas_src>

<mosaic_0001>
#map = affine_map<(d0, d1) -> (0, 0)>
#map1 = affine_map<(d0, d1) -> (0)>
module attributes {stable_mosaic.version = 14 : i64} {
  func.func @_spline_body(%arg0: i32, %arg1: i32, %arg2: memref<65536x256xf32, #tpu.memory_space<hbm>>, %arg3: memref<25600xf32, #tpu.memory_space<hbm>>, %arg4: memref<25600xf32, #tpu.memory_space<hbm>>, %arg5: memref<65536x256xf32, #tpu.memory_space<hbm>>, %arg6: memref<25600xf32, #tpu.memory_space<vmem>>, %arg7: memref<25600xf32, #tpu.memory_space<vmem>>, %arg8: memref<2x64x256xf32, #tpu.memory_space<vmem>>, %arg9: memref<2x64x256xf32, #tpu.memory_space<vmem>>, %arg10: memref<!tpu.dma_semaphore, #tpu.memory_space<semaphore_mem>>, %arg11: memref<!tpu.dma_semaphore, #tpu.memory_space<semaphore_mem>>, %arg12: memref<!tpu.dma_semaphore, #tpu.memory_space<semaphore_mem>>, %arg13: memref<!tpu.dma_semaphore, #tpu.memory_space<semaphore_mem>>) attributes {dimension_semantics = [#tpu.dimension_semantics<core_parallel>, #tpu.dimension_semantics<subcore_parallel>], iteration_bounds = array<i64: 2, 16>, scalar_prefetch = 0 : i64, scratch_operands = 8 : i64, tpu.core_type = #tpu.core_type<sc_vector_subcore>, window_params = [{transform_indices = #map}, {transform_indices = #map1}, {transform_indices = #map1}, {transform_indices = #map}]} {
    %mul3A = arith.constant 2 : i32
    %mul3A_0 = arith.muli %arg1, %mul3A : i32
    %add3A = arith.addi %mul3A_0, %arg0 : i32
    "tpu.region"() ({
      %run_scoped3A = tpu.sem_alloc : memref<!tpu.dma_semaphore, #tpu.memory_space<semaphore_mem>>
      tpu.enqueue_dma source(%arg3 : memref<25600xf32, #tpu.memory_space<hbm>>) target(%arg6 : memref<25600xf32, #tpu.memory_space<vmem>>) target_semaphore(%run_scoped3A : memref<!tpu.dma_semaphore, #tpu.memory_space<semaphore_mem>>)
      tpu.wait_dma2 semaphore(%run_scoped3A : memref<!tpu.dma_semaphore, #tpu.memory_space<semaphore_mem>>) src(%arg3 : memref<25600xf32, #tpu.memory_space<hbm>>) dst(%arg6 : memref<25600xf32, #tpu.memory_space<vmem>>)
      tpu.yield
    }) : () -> ()
    "tpu.region"() ({
      %run_scoped3A = tpu.sem_alloc : memref<!tpu.dma_semaphore, #tpu.memory_space<semaphore_mem>>
      tpu.enqueue_dma source(%arg4 : memref<25600xf32, #tpu.memory_space<hbm>>) target(%arg7 : memref<25600xf32, #tpu.memory_space<vmem>>) target_semaphore(%run_scoped3A : memref<!tpu.dma_semaphore, #tpu.memory_space<semaphore_mem>>)
      tpu.wait_dma2 semaphore(%run_scoped3A : memref<!tpu.dma_semaphore, #tpu.memory_space<semaphore_mem>>) src(%arg4 : memref<25600xf32, #tpu.memory_space<hbm>>) dst(%arg7 : memref<25600xf32, #tpu.memory_space<vmem>>)
      tpu.yield
    }) : () -> ()
    %iota3A = tpu.iota {dimensions = array<i32: 0>} : vector<16xi32>
    %mul3A_1 = arith.constant 2048 : i32
    %mul3A_2 = arith.muli %add3A, %mul3A_1 : i32
    %add3A_3 = arith.constant 0 : i32
    %add3A_4 = arith.addi %mul3A_2, %add3A_3 : i32
    %dma_start3A = arith.constant 0 : i32
    %dma_start3A_5 = arith.constant 0 : i32
    %dma_start3A_6 = arith.constant 0 : i32
    %dma_start3A_7 = tpu.memref_slice %arg8[%dma_start3A, %dma_start3A_5, %dma_start3A_6] : memref<2x64x256xf32, #tpu.memory_space<vmem>> -> memref<1x64x256xf32, #tpu.memory_space<vmem>>
    %dma_start3A_8 = tpu.memref_squeeze %dma_start3A_7 : memref<1x64x256xf32, #tpu.memory_space<vmem>> -> memref<64x256xf32, #tpu.memory_space<vmem>>
    %dma_start3A_9 = arith.constant 0 : i32
    %dma_start3A_10 = tpu.memref_slice %arg2[%add3A_4, %dma_start3A_9] : memref<65536x256xf32, #tpu.memory_space<hbm>> -> memref<64x256xf32, #tpu.memory_space<hbm>>
    %dma_start3A_11 = arith.constant 0 : i32
    %dma_start3A_12 = arith.constant 0 : i32
    %dma_start3A_13 = tpu.memref_slice %arg8[%dma_start3A, %dma_start3A_11, %dma_start3A_12] : memref<2x64x256xf32, #tpu.memory_space<vmem>> -> memref<1x64x256xf32, #tpu.memory_space<vmem>>
    %dma_start3A_14 = tpu.memref_squeeze %dma_start3A_13 : memref<1x64x256xf32, #tpu.memory_space<vmem>> -> memref<64x256xf32, #tpu.memory_space<vmem>>
    %dma_start3A_15 = arith.constant 0 : i32
    %dma_start3A_16 = tpu.memref_slice %arg2[%add3A_4, %dma_start3A_15] : memref<65536x256xf32, #tpu.memory_space<hbm>> -> memref<64x256xf32, #tpu.memory_space<hbm>>
    tpu.enqueue_dma source(%dma_start3A_16 : memref<64x256xf32, #tpu.memory_space<hbm>>) target(%dma_start3A_14 : memref<64x256xf32, #tpu.memory_space<vmem>>) target_semaphore(%arg10 : memref<!tpu.dma_semaphore, #tpu.memory_space<semaphore_mem>>)
    %scan3A = arith.constant 0 : i32
    %scan3A_17 = arith.constant 16 : i32
    %scan3A_18 = arith.addi %scan3A, %scan3A_17 : i32
    %scan3A_19 = arith.constant 1 : i32
    scf.for %scan3A_50 = %scan3A to %scan3A_18 step %scan3A_19  : i32 {
      %mul3A_51 = arith.constant 2 : i32
      %mul3A_52 = arith.muli %scan3A_50, %mul3A_51 : i32
      %add3A_53 = arith.constant 0 : i32
      %add3A_54 = arith.addi %add3A_53, %mul3A_52 : i32
      %add3A_55 = arith.constant 0 : i32
      %add3A_56 = arith.addi %add3A_54, %add3A_55 : i32
      %add3A_57 = arith.constant 1 : i32
      %add3A_58 = arith.addi %add3A_56, %add3A_57 : i32
      %lt3A = arith.constant 32 : i32
      %lt3A_59 = arith.cmpi slt, %add3A_58, %lt3A : i32
      %convert_element_type3A = arith.extui %lt3A_59 : i1 to i32
      %cond3A = arith.constant 0 : i32
      %cond3A_60 = arith.cmpi ne, %convert_element_type3A, %cond3A : i32
      scf.if %cond3A_60 {
        %add3A_148 = arith.constant 1 : i32
        %add3A_149 = arith.addi %add3A_56, %add3A_148 : i32
        %mul3A_150 = arith.constant 64 : i32
        %mul3A_151 = arith.muli %add3A_149, %mul3A_150 : i32
        %add3A_152 = arith.addi %mul3A_2, %mul3A_151 : i32
        %dma_start3A_153 = arith.constant 1 : i32
        %dma_start3A_154 = arith.constant 0 : i32
        %dma_start3A_155 = arith.constant 0 : i32
        %dma_start3A_156 = tpu.memref_slice %arg8[%dma_start3A_153, %dma_start3A_154, %dma_start3A_155] : memref<2x64x256xf32, #tpu.memory_space<vmem>> -> memref<1x64x256xf32, #tpu.memory_space<vmem>>
        %dma_start3A_157 = tpu.memref_squeeze %dma_start3A_156 : memref<1x64x256xf32, #tpu.memory_space<vmem>> -> memref<64x256xf32, #tpu.memory_space<vmem>>
        %dma_start3A_158 = arith.constant 0 : i32
        %dma_start3A_159 = tpu.memref_slice %arg2[%add3A_152, %dma_start3A_158] : memref<65536x256xf32, #tpu.memory_space<hbm>> -> memref<64x256xf32, #tpu.memory_space<hbm>>
        %dma_start3A_160 = arith.constant 0 : i32
        %dma_start3A_161 = arith.constant 0 : i32
        %dma_start3A_162 = tpu.memref_slice %arg8[%dma_start3A_153, %dma_start3A_160, %dma_start3A_161] : memref<2x64x256xf32, #tpu.memory_space<vmem>> -> memref<1x64x256xf32, #tpu.memory_space<vmem>>
        %dma_start3A_163 = tpu.memref_squeeze %dma_start3A_162 : memref<1x64x256xf32, #tpu.memory_space<vmem>> -> memref<64x256xf32, #tpu.memory_space<vmem>>
        %dma_start3A_164 = arith.constant 0 : i32
        %dma_start3A_165 = tpu.memref_slice %arg2[%add3A_152, %dma_start3A_164] : memref<65536x256xf32, #tpu.memory_space<hbm>> -> memref<64x256xf32, #tpu.memory_space<hbm>>
        tpu.enqueue_dma source(%dma_start3A_165 : memref<64x256xf32, #tpu.memory_space<hbm>>) target(%dma_start3A_163 : memref<64x256xf32, #tpu.memory_space<vmem>>) target_semaphore(%arg11 : memref<!tpu.dma_semaphore, #tpu.memory_space<semaphore_mem>>)
      } else {
      }
      %mul3A_61 = arith.constant 64 : i32
      %mul3A_62 = arith.muli %add3A_56, %mul3A_61 : i32
      %add3A_63 = arith.addi %mul3A_2, %mul3A_62 : i32
      %dma_wait3A_64 = arith.constant 0 : i32
      %dma_wait3A_65 = arith.constant 0 : i32
      %dma_wait3A_66 = arith.constant 0 : i32
      %dma_wait3A_67 = tpu.memref_slice %arg8[%dma_wait3A_64, %dma_wait3A_65, %dma_wait3A_66] : memref<2x64x256xf32, #tpu.memory_space<vmem>> -> memref<1x64x256xf32, #tpu.memory_space<vmem>>
      %dma_wait3A_68 = tpu.memref_squeeze %dma_wait3A_67 : memref<1x64x256xf32, #tpu.memory_space<vmem>> -> memref<64x256xf32, #tpu.memory_space<vmem>>
      %dma_wait3A_69 = arith.constant 0 : i32
      %dma_wait3A_70 = tpu.memref_slice %arg2[%add3A_63, %dma_wait3A_69] : memref<65536x256xf32, #tpu.memory_space<hbm>> -> memref<64x256xf32, #tpu.memory_space<hbm>>
      %dma_wait3A_71 = arith.constant 0 : i32
      %dma_wait3A_72 = arith.constant 0 : i32
      %dma_wait3A_73 = tpu.memref_slice %arg8[%dma_wait3A_64, %dma_wait3A_71, %dma_wait3A_72] : memref<2x64x256xf32, #tpu.memory_space<vmem>> -> memref<1x64x256xf32, #tpu.memory_space<vmem>>
      %dma_wait3A_74 = tpu.memref_squeeze %dma_wait3A_73 : memref<1x64x256xf32, #tpu.memory_space<vmem>> -> memref<64x256xf32, #tpu.memory_space<vmem>>
      %dma_wait3A_75 = arith.constant 0 : i32
      %dma_wait3A_76 = tpu.memref_slice %arg2[%add3A_63, %dma_wait3A_75] : memref<65536x256xf32, #tpu.memory_space<hbm>> -> memref<64x256xf32, #tpu.memory_space<hbm>>
      tpu.wait_dma2 semaphore(%arg10 : memref<!tpu.dma_semaphore, #tpu.memory_space<semaphore_mem>>) src(%dma_wait3A_76 : memref<64x256xf32, #tpu.memory_space<hbm>>) dst(%dma_wait3A_74 : memref<64x256xf32, #tpu.memory_space<vmem>>)
      %ge3A = arith.constant 2 : i32
      %ge3A_77 = arith.cmpi sge, %add3A_56, %ge3A : i32
      %convert_element_type3A_78 = arith.extui %ge3A_77 : i1 to i32
      %cond3A_79 = arith.constant 0 : i32
      %cond3A_80 = arith.cmpi ne, %convert_element_type3A_78, %cond3A_79 : i32
      scf.if %cond3A_80 {
        %sub3A = arith.constant 2 : i32
        %sub3A_148 = arith.subi %add3A_56, %sub3A : i32
        %mul3A_149 = arith.constant 64 : i32
        %mul3A_150 = arith.muli %sub3A_148, %mul3A_149 : i32
        %add3A_151 = arith.addi %mul3A_2, %mul3A_150 : i32
        %dma_wait3A_152 = arith.constant 0 : i32
        %dma_wait3A_153 = arith.constant 0 : i32
        %dma_wait3A_154 = arith.constant 0 : i32
        %dma_wait3A_155 = tpu.memref_slice %arg9[%dma_wait3A_152, %dma_wait3A_153, %dma_wait3A_154] : memref<2x64x256xf32, #tpu.memory_space<vmem>> -> memref<1x64x256xf32, #tpu.memory_space<vmem>>
        %dma_wait3A_156 = tpu.memref_squeeze %dma_wait3A_155 : memref<1x64x256xf32, #tpu.memory_space<vmem>> -> memref<64x256xf32, #tpu.memory_space<vmem>>
        %dma_wait3A_157 = arith.constant 0 : i32
        %dma_wait3A_158 = tpu.memref_slice %arg5[%add3A_151, %dma_wait3A_157] : memref<65536x256xf32, #tpu.memory_space<hbm>> -> memref<64x256xf32, #tpu.memory_space<hbm>>
        %dma_wait3A_159 = arith.constant 0 : i32
        %dma_wait3A_160 = tpu.memref_slice %arg5[%add3A_151, %dma_wait3A_159] : memref<65536x256xf32, #tpu.memory_space<hbm>> -> memref<64x256xf32, #tpu.memory_space<hbm>>
        %dma_wait3A_161 = arith.constant 0 : i32
        %dma_wait3A_162 = arith.constant 0 : i32
        %dma_wait3A_163 = tpu.memref_slice %arg9[%dma_wait3A_152, %dma_wait3A_161, %dma_wait3A_162] : memref<2x64x256xf32, #tpu.memory_space<vmem>> -> memref<1x64x256xf32, #tpu.memory_space<vmem>>
        %dma_wait3A_164 = tpu.memref_squeeze %dma_wait3A_163 : memref<1x64x256xf32, #tpu.memory_space<vmem>> -> memref<64x256xf32, #tpu.memory_space<vmem>>
        tpu.wait_dma2 semaphore(%arg12 : memref<!tpu.dma_semaphore, #tpu.memory_space<semaphore_mem>>) src(%dma_wait3A_164 : memref<64x256xf32, #tpu.memory_space<vmem>>) dst(%dma_wait3A_160 : memref<64x256xf32, #tpu.memory_space<hbm>>)
      } else {
      }
      %parallel_loop3A = arith.constant 0 : i32
      %parallel_loop3A_81 = arith.constant 16384 : i32
      %parallel_loop3A_82 = arith.constant 16 : i32
      scf.for %parallel_loop3A_148 = %parallel_loop3A to %parallel_loop3A_81 step %parallel_loop3A_82  : i32 {
        %parallel_loop3A_149 = arith.constant 8 : i32
        %parallel_loop3A_150 = arith.shrsi %parallel_loop3A_148, %parallel_loop3A_149 : i32
        %parallel_loop3A_151 = arith.constant 255 : i32
        %parallel_loop3A_152 = arith.andi %parallel_loop3A_148, %parallel_loop3A_151 : i32
        %parallel_loop3A_153 = arith.constant 0 : i32
        %parallel_loop3A_154 = arith.index_cast %parallel_loop3A_153 : i32 to index
        %parallel_loop3A_155 = arith.index_cast %parallel_loop3A_150 : i32 to index
        %parallel_loop3A_156 = arith.index_cast %parallel_loop3A_152 : i32 to index
        %parallel_loop3A_157 = tpu.vector_load %arg8[%parallel_loop3A_154, %parallel_loop3A_155, %parallel_loop3A_156] {strides = array<i32>} : memref<2x64x256xf32, #tpu.memory_space<vmem>>, vector<16xf32>,
        %parallel_loop3A_158 = arith.constant 1.250000e+01 : f32
        %parallel_loop3A_159 = vector.broadcast %parallel_loop3A_158 : f32 to vector<16xf32>
        %parallel_loop3A_160 = arith.mulf %parallel_loop3A_157, %parallel_loop3A_159 : vector<16xf32>
        %parallel_loop3A_161 = arith.constant 4.950000e+01 : f32
        %parallel_loop3A_162 = vector.broadcast %parallel_loop3A_161 : f32 to vector<16xf32>
        %parallel_loop3A_163 = arith.addf %parallel_loop3A_160, %parallel_loop3A_162 : vector<16xf32>
        %parallel_loop3A_164 = arith.constant -5.000000e-01 : f32
        %parallel_loop3A_165 = vector.broadcast %parallel_loop3A_164 : f32 to vector<16xf32>
        %parallel_loop3A_166 = arith.maximumf %parallel_loop3A_163, %parallel_loop3A_165 : vector<16xf32>
        %parallel_loop3A_167 = arith.constant 97.5000076 : f32
        %parallel_loop3A_168 = vector.broadcast %parallel_loop3A_167 : f32 to vector<16xf32>
        %parallel_loop3A_169 = arith.minimumf %parallel_loop3A_166, %parallel_loop3A_168 : vector<16xf32>
        %parallel_loop3A_170 = arith.constant 0x4B400000 : f32
        %parallel_loop3A_171 = vector.broadcast %parallel_loop3A_170 : f32 to vector<16xf32>
        %parallel_loop3A_172 = arith.addf %parallel_loop3A_169, %parallel_loop3A_171 : vector<16xf32>
        %parallel_loop3A_173 = arith.constant 0x4B400000 : f32
        %parallel_loop3A_174 = vector.broadcast %parallel_loop3A_173 : f32 to vector<16xf32>
        %parallel_loop3A_175 = arith.subf %parallel_loop3A_172, %parallel_loop3A_174 : vector<16xf32>
        %parallel_loop3A_176 = arith.subf %parallel_loop3A_163, %parallel_loop3A_175 : vector<16xf32>
        %parallel_loop3A_177 = vector.bitcast %parallel_loop3A_172 : vector<16xf32> to vector<16xi32>
        %parallel_loop3A_178 = vector.broadcast %parallel_loop3A_152 : i32 to vector<16xi32>
        %parallel_loop3A_179 = arith.addi %iota3A, %parallel_loop3A_178 : vector<16xi32>
        %parallel_loop3A_180 = arith.constant 8 : i32
        %parallel_loop3A_181 = vector.broadcast %parallel_loop3A_180 : i32 to vector<16xi32>
        %parallel_loop3A_182 = arith.shli %parallel_loop3A_177, %parallel_loop3A_181 : vector<16xi32>
        %parallel_loop3A_183 = arith.constant 261888 : i32
        %parallel_loop3A_184 = vector.broadcast %parallel_loop3A_183 : i32 to vector<16xi32>
        %parallel_loop3A_185 = arith.andi %parallel_loop3A_182, %parallel_loop3A_184 : vector<16xi32>
        %parallel_loop3A_186 = arith.addi %parallel_loop3A_185, %parallel_loop3A_179 : vector<16xi32>
        %parallel_loop3A_187 = tpu.vector_load_idx %arg6[%parallel_loop3A_186] : memref<25600xf32, #tpu.memory_space<vmem>>[vector<16xi32>], vector<16xf32>,
        %parallel_loop3A_188 = tpu.vector_load_idx %arg7[%parallel_loop3A_186] : memref<25600xf32, #tpu.memory_space<vmem>>[vector<16xi32>], vector<16xf32>,
        %parallel_loop3A_189 = arith.mulf %parallel_loop3A_176, %parallel_loop3A_188 : vector<16xf32>
        %parallel_loop3A_190 = arith.addf %parallel_loop3A_187, %parallel_loop3A_189 : vector<16xf32>
        %parallel_loop3A_191 = arith.constant 0 : i32
        %parallel_loop3A_192 = arith.index_cast %parallel_loop3A_191 : i32 to index
        %parallel_loop3A_193 = arith.index_cast %parallel_loop3A_150 : i32 to index
        %parallel_loop3A_194 = arith.index_cast %parallel_loop3A_152 : i32 to index
        %parallel_loop3A_195 = tpu.vector_load %arg9[%parallel_loop3A_192, %parallel_loop3A_193, %parallel_loop3A_194] {strides = array<i32>} : memref<2x64x256xf32, #tpu.memory_space<vmem>>, vector<16xf32>,
        tpu.vector_store %arg9[%parallel_loop3A_192, %parallel_loop3A_193, %parallel_loop3A_194], %parallel_loop3A_190 {strides = array<i32>} : memref<2x64x256xf32, #tpu.memory_space<vmem>>, vector<16xf32>,
      } {sc.loop_unroll_factor = 8 : i64, sc.parallel_access}
      %mul3A_83 = arith.constant 64 : i32
      %mul3A_84 = arith.muli %add3A_56, %mul3A_83 : i32
      %add3A_85 = arith.addi %mul3A_2, %mul3A_84 : i32
      %dma_start3A_86 = arith.constant 0 : i32
      %dma_start3A_87 = arith.constant 0 : i32
      %dma_start3A_88 = arith.constant 0 : i32
      %dma_start3A_89 = tpu.memref_slice %arg9[%dma_start3A_86, %dma_start3A_87, %dma_start3A_88] : memref<2x64x256xf32, #tpu.memory_space<vmem>> -> memref<1x64x256xf32, #tpu.memory_space<vmem>>
      %dma_start3A_90 = tpu.memref_squeeze %dma_start3A_89 : memref<1x64x256xf32, #tpu.memory_space<vmem>> -> memref<64x256xf32, #tpu.memory_space<vmem>>
      %dma_start3A_91 = arith.constant 0 : i32
      %dma_start3A_92 = tpu.memref_slice %arg5[%add3A_85, %dma_start3A_91] : memref<65536x256xf32, #tpu.memory_space<hbm>> -> memref<64x256xf32, #tpu.memory_space<hbm>>
      %dma_start3A_93 = arith.constant 0 : i32
      %dma_start3A_94 = tpu.memref_slice %arg5[%add3A_85, %dma_start3A_93] : memref<65536x256xf32, #tpu.memory_space<hbm>> -> memref<64x256xf32, #tpu.memory_space<hbm>>
      %dma_start3A_95 = arith.constant 0 : i32
      %dma_start3A_96 = arith.constant 0 : i32
      %dma_start3A_97 = tpu.memref_slice %arg9[%dma_start3A_86, %dma_start3A_95, %dma_start3A_96] : memref<2x64x256xf32, #tpu.memory_space<vmem>> -> memref<1x64x256xf32, #tpu.memory_space<vmem>>
      %dma_start3A_98 = tpu.memref_squeeze %dma_start3A_97 : memref<1x64x256xf32, #tpu.memory_space<vmem>> -> memref<64x256xf32, #tpu.memory_space<vmem>>
      tpu.enqueue_dma source(%dma_start3A_98 : memref<64x256xf32, #tpu.memory_space<vmem>>) target(%dma_start3A_94 : memref<64x256xf32, #tpu.memory_space<hbm>>) target_semaphore(%arg12 : memref<!tpu.dma_semaphore, #tpu.memory_space<semaphore_mem>>)
      %add3A_99 = arith.constant 1 : i32
      %add3A_100 = arith.addi %add3A_54, %add3A_99 : i32
      %add3A_101 = arith.constant 1 : i32
      %add3A_102 = arith.addi %add3A_100, %add3A_101 : i32
      %lt3A_103 = arith.constant 32 : i32
      %lt3A_104 = arith.cmpi slt, %add3A_102, %lt3A_103 : i32
      %convert_element_type3A_105 = arith.extui %lt3A_104 : i1 to i32
      %cond3A_106 = arith.constant 0 : i32
      %cond3A_107 = arith.cmpi ne, %convert_element_type3A_105, %cond3A_106 : i32
      scf.if %cond3A_107 {
        %add3A_148 = arith.constant 1 : i32
        %add3A_149 = arith.addi %add3A_100, %add3A_148 : i32
        %mul3A_150 = arith.constant 64 : i32
        %mul3A_151 = arith.muli %add3A_149, %mul3A_150 : i32
        %add3A_152 = arith.addi %mul3A_2, %mul3A_151 : i32
        %dma_start3A_153 = arith.constant 0 : i32
        %dma_start3A_154 = arith.constant 0 : i32
        %dma_start3A_155 = arith.constant 0 : i32
        %dma_start3A_156 = tpu.memref_slice %arg8[%dma_start3A_153, %dma_start3A_154, %dma_start3A_155] : memref<2x64x256xf32, #tpu.memory_space<vmem>> -> memref<1x64x256xf32, #tpu.memory_space<vmem>>
        %dma_start3A_157 = tpu.memref_squeeze %dma_start3A_156 : memref<1x64x256xf32, #tpu.memory_space<vmem>> -> memref<64x256xf32, #tpu.memory_space<vmem>>
        %dma_start3A_158 = arith.constant 0 : i32
        %dma_start3A_159 = tpu.memref_slice %arg2[%add3A_152, %dma_start3A_158] : memref<65536x256xf32, #tpu.memory_space<hbm>> -> memref<64x256xf32, #tpu.memory_space<hbm>>
        %dma_start3A_160 = arith.constant 0 : i32
        %dma_start3A_161 = arith.constant 0 : i32
        %dma_start3A_162 = tpu.memref_slice %arg8[%dma_start3A_153, %dma_start3A_160, %dma_start3A_161] : memref<2x64x256xf32, #tpu.memory_space<vmem>> -> memref<1x64x256xf32, #tpu.memory_space<vmem>>
        %dma_start3A_163 = tpu.memref_squeeze %dma_start3A_162 : memref<1x64x256xf32, #tpu.memory_space<vmem>> -> memref<64x256xf32, #tpu.memory_space<vmem>>
        %dma_start3A_164 = arith.constant 0 : i32
        %dma_start3A_165 = tpu.memref_slice %arg2[%add3A_152, %dma_start3A_164] : memref<65536x256xf32, #tpu.memory_space<hbm>> -> memref<64x256xf32, #tpu.memory_space<hbm>>
        tpu.enqueue_dma source(%dma_start3A_165 : memref<64x256xf32, #tpu.memory_space<hbm>>) target(%dma_start3A_163 : memref<64x256xf32, #tpu.memory_space<vmem>>) target_semaphore(%arg10 : memref<!tpu.dma_semaphore, #tpu.memory_space<semaphore_mem>>)
      } else {
      }
      %mul3A_108 = arith.constant 64 : i32
      %mul3A_109 = arith.muli %add3A_100, %mul3A_108 : i32
      %add3A_110 = arith.addi %mul3A_2, %mul3A_109 : i32
      %dma_wait3A_111 = arith.constant 1 : i32
      %dma_wait3A_112 = arith.constant 0 : i32
      %dma_wait3A_113 = arith.constant 0 : i32
      %dma_wait3A_114 = tpu.memref_slice %arg8[%dma_wait3A_111, %dma_wait3A_112, %dma_wait3A_113] : memref<2x64x256xf32, #tpu.memory_space<vmem>> -> memref<1x64x256xf32, #tpu.memory_space<vmem>>
      %dma_wait3A_115 = tpu.memref_squeeze %dma_wait3A_114 : memref<1x64x256xf32, #tpu.memory_space<vmem>> -> memref<64x256xf32, #tpu.memory_space<vmem>>
      %dma_wait3A_116 = arith.constant 0 : i32
      %dma_wait3A_117 = tpu.memref_slice %arg2[%add3A_110, %dma_wait3A_116] : memref<65536x256xf32, #tpu.memory_space<hbm>> -> memref<64x256xf32, #tpu.memory_space<hbm>>
      %dma_wait3A_118 = arith.constant 0 : i32
      %dma_wait3A_119 = arith.constant 0 : i32
      %dma_wait3A_120 = tpu.memref_slice %arg8[%dma_wait3A_111, %dma_wait3A_118, %dma_wait3A_119] : memref<2x64x256xf32, #tpu.memory_space<vmem>> -> memref<1x64x256xf32, #tpu.memory_space<vmem>>
      %dma_wait3A_121 = tpu.memref_squeeze %dma_wait3A_120 : memref<1x64x256xf32, #tpu.memory_space<vmem>> -> memref<64x256xf32, #tpu.memory_space<vmem>>
      %dma_wait3A_122 = arith.constant 0 : i32
      %dma_wait3A_123 = tpu.memref_slice %arg2[%add3A_110, %dma_wait3A_122] : memref<65536x256xf32, #tpu.memory_space<hbm>> -> memref<64x256xf32, #tpu.memory_space<hbm>>
      tpu.wait_dma2 semaphore(%arg11 : memref<!tpu.dma_semaphore, #tpu.memory_space<semaphore_mem>>) src(%dma_wait3A_123 : memref<64x256xf32, #tpu.memory_space<hbm>>) dst(%dma_wait3A_121 : memref<64x256xf32, #tpu.memory_space<vmem>>)
      %ge3A_124 = arith.constant 2 : i32
      %ge3A_125 = arith.cmpi sge, %add3A_100, %ge3A_124 : i32
      %convert_element_type3A_126 = arith.extui %ge3A_125 : i1 to i32
      %cond3A_127 = arith.constant 0 : i32
      %cond3A_128 = arith.cmpi ne, %convert_element_type3A_126, %cond3A_127 : i32
      scf.if %cond3A_128 {
        %sub3A = arith.constant 2 : i32
        %sub3A_148 = arith.subi %add3A_100, %sub3A : i32
        %mul3A_149 = arith.constant 64 : i32
        %mul3A_150 = arith.muli %sub3A_148, %mul3A_149 : i32
        %add3A_151 = arith.addi %mul3A_2, %mul3A_150 : i32
        %dma_wait3A_152 = arith.constant 1 : i32
        %dma_wait3A_153 = arith.constant 0 : i32
        %dma_wait3A_154 = arith.constant 0 : i32
        %dma_wait3A_155 = tpu.memref_slice %arg9[%dma_wait3A_152, %dma_wait3A_153, %dma_wait3A_154] : memref<2x64x256xf32, #tpu.memory_space<vmem>> -> memref<1x64x256xf32, #tpu.memory_space<vmem>>
        %dma_wait3A_156 = tpu.memref_squeeze %dma_wait3A_155 : memref<1x64x256xf32, #tpu.memory_space<vmem>> -> memref<64x256xf32, #tpu.memory_space<vmem>>
        %dma_wait3A_157 = arith.constant 0 : i32
        %dma_wait3A_158 = tpu.memref_slice %arg5[%add3A_151, %dma_wait3A_157] : memref<65536x256xf32, #tpu.memory_space<hbm>> -> memref<64x256xf32, #tpu.memory_space<hbm>>
        %dma_wait3A_159 = arith.constant 0 : i32
        %dma_wait3A_160 = tpu.memref_slice %arg5[%add3A_151, %dma_wait3A_159] : memref<65536x256xf32, #tpu.memory_space<hbm>> -> memref<64x256xf32, #tpu.memory_space<hbm>>
        %dma_wait3A_161 = arith.constant 0 : i32
        %dma_wait3A_162 = arith.constant 0 : i32
        %dma_wait3A_163 = tpu.memref_slice %arg9[%dma_wait3A_152, %dma_wait3A_161, %dma_wait3A_162] : memref<2x64x256xf32, #tpu.memory_space<vmem>> -> memref<1x64x256xf32, #tpu.memory_space<vmem>>
        %dma_wait3A_164 = tpu.memref_squeeze %dma_wait3A_163 : memref<1x64x256xf32, #tpu.memory_space<vmem>> -> memref<64x256xf32, #tpu.memory_space<vmem>>
        tpu.wait_dma2 semaphore(%arg13 : memref<!tpu.dma_semaphore, #tpu.memory_space<semaphore_mem>>) src(%dma_wait3A_164 : memref<64x256xf32, #tpu.memory_space<vmem>>) dst(%dma_wait3A_160 : memref<64x256xf32, #tpu.memory_space<hbm>>)
      } else {
      }
      %parallel_loop3A_129 = arith.constant 0 : i32
      %parallel_loop3A_130 = arith.constant 16384 : i32
      %parallel_loop3A_131 = arith.constant 16 : i32
      scf.for %parallel_loop3A_148 = %parallel_loop3A_129 to %parallel_loop3A_130 step %parallel_loop3A_131  : i32 {
        %parallel_loop3A_149 = arith.constant 8 : i32
        %parallel_loop3A_150 = arith.shrsi %parallel_loop3A_148, %parallel_loop3A_149 : i32
        %parallel_loop3A_151 = arith.constant 255 : i32
        %parallel_loop3A_152 = arith.andi %parallel_loop3A_148, %parallel_loop3A_151 : i32
        %parallel_loop3A_153 = arith.constant 1 : i32
        %parallel_loop3A_154 = arith.index_cast %parallel_loop3A_153 : i32 to index
        %parallel_loop3A_155 = arith.index_cast %parallel_loop3A_150 : i32 to index
        %parallel_loop3A_156 = arith.index_cast %parallel_loop3A_152 : i32 to index
        %parallel_loop3A_157 = tpu.vector_load %arg8[%parallel_loop3A_154, %parallel_loop3A_155, %parallel_loop3A_156] {strides = array<i32>} : memref<2x64x256xf32, #tpu.memory_space<vmem>>, vector<16xf32>,
        %parallel_loop3A_158 = arith.constant 1.250000e+01 : f32
        %parallel_loop3A_159 = vector.broadcast %parallel_loop3A_158 : f32 to vector<16xf32>
        %parallel_loop3A_160 = arith.mulf %parallel_loop3A_157, %parallel_loop3A_159 : vector<16xf32>
        %parallel_loop3A_161 = arith.constant 4.950000e+01 : f32
        %parallel_loop3A_162 = vector.broadcast %parallel_loop3A_161 : f32 to vector<16xf32>
        %parallel_loop3A_163 = arith.addf %parallel_loop3A_160, %parallel_loop3A_162 : vector<16xf32>
        %parallel_loop3A_164 = arith.constant -5.000000e-01 : f32
        %parallel_loop3A_165 = vector.broadcast %parallel_loop3A_164 : f32 to vector<16xf32>
        %parallel_loop3A_166 = arith.maximumf %parallel_loop3A_163, %parallel_loop3A_165 : vector<16xf32>
        %parallel_loop3A_167 = arith.constant 97.5000076 : f32
        %parallel_loop3A_168 = vector.broadcast %parallel_loop3A_167 : f32 to vector<16xf32>
        %parallel_loop3A_169 = arith.minimumf %parallel_loop3A_166, %parallel_loop3A_168 : vector<16xf32>
        %parallel_loop3A_170 = arith.constant 0x4B400000 : f32
        %parallel_loop3A_171 = vector.broadcast %parallel_loop3A_170 : f32 to vector<16xf32>
        %parallel_loop3A_172 = arith.addf %parallel_loop3A_169, %parallel_loop3A_171 : vector<16xf32>
        %parallel_loop3A_173 = arith.constant 0x4B400000 : f32
        %parallel_loop3A_174 = vector.broadcast %parallel_loop3A_173 : f32 to vector<16xf32>
        %parallel_loop3A_175 = arith.subf %parallel_loop3A_172, %parallel_loop3A_174 : vector<16xf32>
        %parallel_loop3A_176 = arith.subf %parallel_loop3A_163, %parallel_loop3A_175 : vector<16xf32>
        %parallel_loop3A_177 = vector.bitcast %parallel_loop3A_172 : vector<16xf32> to vector<16xi32>
        %parallel_loop3A_178 = vector.broadcast %parallel_loop3A_152 : i32 to vector<16xi32>
        %parallel_loop3A_179 = arith.addi %iota3A, %parallel_loop3A_178 : vector<16xi32>
        %parallel_loop3A_180 = arith.constant 8 : i32
        %parallel_loop3A_181 = vector.broadcast %parallel_loop3A_180 : i32 to vector<16xi32>
        %parallel_loop3A_182 = arith.shli %parallel_loop3A_177, %parallel_loop3A_181 : vector<16xi32>
        %parallel_loop3A_183 = arith.constant 261888 : i32
        %parallel_loop3A_184 = vector.broadcast %parallel_loop3A_183 : i32 to vector<16xi32>
        %parallel_loop3A_185 = arith.andi %parallel_loop3A_182, %parallel_loop3A_184 : vector<16xi32>
        %parallel_loop3A_186 = arith.addi %parallel_loop3A_185, %parallel_loop3A_179 : vector<16xi32>
        %parallel_loop3A_187 = tpu.vector_load_idx %arg6[%parallel_loop3A_186] : memref<25600xf32, #tpu.memory_space<vmem>>[vector<16xi32>], vector<16xf32>,
        %parallel_loop3A_188 = tpu.vector_load_idx %arg7[%parallel_loop3A_186] : memref<25600xf32, #tpu.memory_space<vmem>>[vector<16xi32>], vector<16xf32>,
        %parallel_loop3A_189 = arith.mulf %parallel_loop3A_176, %parallel_loop3A_188 : vector<16xf32>
        %parallel_loop3A_190 = arith.addf %parallel_loop3A_187, %parallel_loop3A_189 : vector<16xf32>
        %parallel_loop3A_191 = arith.constant 1 : i32
        %parallel_loop3A_192 = arith.index_cast %parallel_loop3A_191 : i32 to index
        %parallel_loop3A_193 = arith.index_cast %parallel_loop3A_150 : i32 to index
        %parallel_loop3A_194 = arith.index_cast %parallel_loop3A_152 : i32 to index
        %parallel_loop3A_195 = tpu.vector_load %arg9[%parallel_loop3A_192, %parallel_loop3A_193, %parallel_loop3A_194] {strides = array<i32>} : memref<2x64x256xf32, #tpu.memory_space<vmem>>, vector<16xf32>,
        tpu.vector_store %arg9[%parallel_loop3A_192, %parallel_loop3A_193, %parallel_loop3A_194], %parallel_loop3A_190 {strides = array<i32>} : memref<2x64x256xf32, #tpu.memory_space<vmem>>, vector<16xf32>,
      } {sc.loop_unroll_factor = 8 : i64, sc.parallel_access}
      %mul3A_132 = arith.constant 64 : i32
      %mul3A_133 = arith.muli %add3A_100, %mul3A_132 : i32
      %add3A_134 = arith.addi %mul3A_2, %mul3A_133 : i32
      %dma_start3A_135 = arith.constant 1 : i32
      %dma_start3A_136 = arith.constant 0 : i32
      %dma_start3A_137 = arith.constant 0 : i32
      %dma_start3A_138 = tpu.memref_slice %arg9[%dma_start3A_135, %dma_start3A_136, %dma_start3A_137] : memref<2x64x256xf32, #tpu.memory_space<vmem>> -> memref<1x64x256xf32, #tpu.memory_space<vmem>>
      %dma_start3A_139 = tpu.memref_squeeze %dma_start3A_138 : memref<1x64x256xf32, #tpu.memory_space<vmem>> -> memref<64x256xf32, #tpu.memory_space<vmem>>
      %dma_start3A_140 = arith.constant 0 : i32
      %dma_start3A_141 = tpu.memref_slice %arg5[%add3A_134, %dma_start3A_140] : memref<65536x256xf32, #tpu.memory_space<hbm>> -> memref<64x256xf32, #tpu.memory_space<hbm>>
      %dma_start3A_142 = arith.constant 0 : i32
      %dma_start3A_143 = tpu.memref_slice %arg5[%add3A_134, %dma_start3A_142] : memref<65536x256xf32, #tpu.memory_space<hbm>> -> memref<64x256xf32, #tpu.memory_space<hbm>>
      %dma_start3A_144 = arith.constant 0 : i32
      %dma_start3A_145 = arith.constant 0 : i32
      %dma_start3A_146 = tpu.memref_slice %arg9[%dma_start3A_135, %dma_start3A_144, %dma_start3A_145] : memref<2x64x256xf32, #tpu.memory_space<vmem>> -> memref<1x64x256xf32, #tpu.memory_space<vmem>>
      %dma_start3A_147 = tpu.memref_squeeze %dma_start3A_146 : memref<1x64x256xf32, #tpu.memory_space<vmem>> -> memref<64x256xf32, #tpu.memory_space<vmem>>
      tpu.enqueue_dma source(%dma_start3A_147 : memref<64x256xf32, #tpu.memory_space<vmem>>) target(%dma_start3A_143 : memref<64x256xf32, #tpu.memory_space<hbm>>) target_semaphore(%arg13 : memref<!tpu.dma_semaphore, #tpu.memory_space<semaphore_mem>>)
    }
    %scan3A_20 = arith.constant 16 : i32
    %add3A_21 = arith.constant 1920 : i32
    %add3A_22 = arith.addi %mul3A_2, %add3A_21 : i32
    %dma_wait3A = arith.constant 0 : i32
    %dma_wait3A_23 = arith.constant 0 : i32
    %dma_wait3A_24 = arith.constant 0 : i32
    %dma_wait3A_25 = tpu.memref_slice %arg9[%dma_wait3A, %dma_wait3A_23, %dma_wait3A_24] : memref<2x64x256xf32, #tpu.memory_space<vmem>> -> memref<1x64x256xf32, #tpu.memory_space<vmem>>
    %dma_wait3A_26 = tpu.memref_squeeze %dma_wait3A_25 : memref<1x64x256xf32, #tpu.memory_space<vmem>> -> memref<64x256xf32, #tpu.memory_space<vmem>>
    %dma_wait3A_27 = arith.constant 0 : i32
    %dma_wait3A_28 = tpu.memref_slice %arg5[%add3A_22, %dma_wait3A_27] : memref<65536x256xf32, #tpu.memory_space<hbm>> -> memref<64x256xf32, #tpu.memory_space<hbm>>
    %dma_wait3A_29 = arith.constant 0 : i32
    %dma_wait3A_30 = tpu.memref_slice %arg5[%add3A_22, %dma_wait3A_29] : memref<65536x256xf32, #tpu.memory_space<hbm>> -> memref<64x256xf32, #tpu.memory_space<hbm>>
    %dma_wait3A_31 = arith.constant 0 : i32
    %dma_wait3A_32 = arith.constant 0 : i32
    %dma_wait3A_33 = tpu.memref_slice %arg9[%dma_wait3A, %dma_wait3A_31, %dma_wait3A_32] : memref<2x64x256xf32, #tpu.memory_space<vmem>> -> memref<1x64x256xf32, #tpu.memory_space<vmem>>
    %dma_wait3A_34 = tpu.memref_squeeze %dma_wait3A_33 : memref<1x64x256xf32, #tpu.memory_space<vmem>> -> memref<64x256xf32, #tpu.memory_space<vmem>>
    tpu.wait_dma2 semaphore(%arg12 : memref<!tpu.dma_semaphore, #tpu.memory_space<semaphore_mem>>) src(%dma_wait3A_34 : memref<64x256xf32, #tpu.memory_space<vmem>>) dst(%dma_wait3A_30 : memref<64x256xf32, #tpu.memory_space<hbm>>)
    %add3A_35 = arith.constant 1984 : i32
    %add3A_36 = arith.addi %mul3A_2, %add3A_35 : i32
    %dma_wait3A_37 = arith.constant 1 : i32
    %dma_wait3A_38 = arith.constant 0 : i32
    %dma_wait3A_39 = arith.constant 0 : i32
    %dma_wait3A_40 = tpu.memref_slice %arg9[%dma_wait3A_37, %dma_wait3A_38, %dma_wait3A_39] : memref<2x64x256xf32, #tpu.memory_space<vmem>> -> memref<1x64x256xf32, #tpu.memory_space<vmem>>
    %dma_wait3A_41 = tpu.memref_squeeze %dma_wait3A_40 : memref<1x64x256xf32, #tpu.memory_space<vmem>> -> memref<64x256xf32, #tpu.memory_space<vmem>>
    %dma_wait3A_42 = arith.constant 0 : i32
    %dma_wait3A_43 = tpu.memref_slice %arg5[%add3A_36, %dma_wait3A_42] : memref<65536x256xf32, #tpu.memory_space<hbm>> -> memref<64x256xf32, #tpu.memory_space<hbm>>
    %dma_wait3A_44 = arith.constant 0 : i32
    %dma_wait3A_45 = tpu.memref_slice %arg5[%add3A_36, %dma_wait3A_44] : memref<65536x256xf32, #tpu.memory_space<hbm>> -> memref<64x256xf32, #tpu.memory_space<hbm>>
    %dma_wait3A_46 = arith.constant 0 : i32
    %dma_wait3A_47 = arith.constant 0 : i32
    %dma_wait3A_48 = tpu.memref_slice %arg9[%dma_wait3A_37, %dma_wait3A_46, %dma_wait3A_47] : memref<2x64x256xf32, #tpu.memory_space<vmem>> -> memref<1x64x256xf32, #tpu.memory_space<vmem>>
    %dma_wait3A_49 = tpu.memref_squeeze %dma_wait3A_48 : memref<1x64x256xf32, #tpu.memory_space<vmem>> -> memref<64x256xf32, #tpu.memory_space<vmem>>
    tpu.wait_dma2 semaphore(%arg13 : memref<!tpu.dma_semaphore, #tpu.memory_space<semaphore_mem>>) src(%dma_wait3A_49 : memref<64x256xf32, #tpu.memory_space<vmem>>) dst(%dma_wait3A_45 : memref<64x256xf32, #tpu.memory_space<hbm>>)
    return
  }
}

</mosaic_0001>

<sc_bundles>
// kernel: _spline_sc.3.cloned.1.call-start
scs
__scs_entry_jumppad:
0x0: {  	(pc) =	sbr.rel $0x88, $3  }
0x1: {  	(tag) =	ssettag $0x0;
	lr =	simm.s32 $0x1  }
0x2: {  	[smem:$0x3F9E] =	sst lr;
	_ =	strace $0xD0000000  }
0x3: {  	_ = 	snop  }
0x4: {  	_ = 	snop  }
0x5: {  	_ = 	snop  }
0x6: {  	_ = 	snop  }
0x7: {  	_ = 	snop  }
__scs_overlays_trampoline_lowered:
0x8: {  	[smem:$0x3FAD] =	sst s0  }
0x9: {  	[smem:$0x3FAE] =	sst s1  }
0xa: {  	[smem:$0x3FAF] =	sst s2  }
0xb: {  	[smem:$0x3FB0] =	sst s3  }
0xc: {  	[smem:$0x3FB1] =	sst s4  }
0xd: {  	[smem:$0x3FB2] =	sst s5  }
0xe: {  	[smem:$0x3FB3] =	sst s6  }
0xf: {  	[smem:$0x3FB4] =	sst s7  }
0x10: {  	[smem:$0x3FB5] =	sst s8  }
0x11: {  	[smem:$0x3FB6] =	sst s9;
	s0 =	simm.s32 @!p0 $0x0  }
0x12: {  	s1 =	sld [smem:$0x3F9C];
	s0 =	simm.s32 @p0 $0x1  }
0x13: {  	[smem:$0x3FB7] =	sst s0;
	s0 =	simm.s32 @!p1 $0x0  }
0x14: {  	s2 =	sld [smem:$0x3F9B];
	s0 =	simm.s32 @p1 $0x1  }
0x15: {  	[smem:$0x3FB8] =	sst s0;
	s0 =	simm.s32 @!p2 $0x0  }
0x16: {  	s3 =	sld [smem:$0x3FDB];
	s0 =	simm.s32 @p2 $0x1  }
0x17: {  	s4 =	simm.s32 $0x1BF5;
	[smem:$0x3FBA] =	sst s0  }
0x18: {  	s0 =	sld [smem:$0x3F9D];
	_ =	swait.ge [sflag:s4], $0x0  }
0x19: {  	s7 =	sld [smem:$0x3F9E]  }
0x1a: {  	s8 =	sadd.s32 $0xFFFFE003, lr  }
0x1b: {  	s9 =	sadd.s32 $0xFFFFFEF7, lr;
	s5 =	simm.s32 $0xFFFFFFFF;
	p2 =	slt.u32 s8, $0xFFFFF086  }
0x1c: {  	p1 =	slt.u32 s9, $0xF7A;
	s5 =	simm.s32 @!p2 $0x0  }
0x1d: {  	s5 =	simm.s32 @p1 $0x1;
	p0 =	seq.s32 s7, s2  }
0x1e: {  	s7 =	smul.u32 @!p0 $0xF7A, s2;
	p2 =	seq.s32 @!p0 s5, $0x0  }
0x1f: {  	s9 =	smul.u32 $0xF7A, s1;
	s8 =	simm.s32 @!p0 $0x1BF5;
	p2 =	por !p2, p0  }
0x20: {  	[sflag:s8] =	ssyncset.s32 @!p0 $0xFFFFF086;
	s6 =	sadd.s32 @!p0 s3, s7;
	s7 =	simm.s32 @!p0 $0x108  }
0x21: {  	s3 =	sadd.s32 s3, s9;
	s6 =	sadd.s32 @!p0 $0x88, s6;
	s7 =	simm.s32 @p2 $0x1082  }
0x22: {  	[simem:s7], [sflag:s8] =	dma.local @!p0 [hbm:s6], $0xF7A  }
0x23: {  	s9 =	sor.u32 $0xD0000000, s2;
	s6 =	simm.s32 $0x108;
	_ =	swait.ge @!p0 [sflag:s8], $0x0  }
0x24: {  	s3 =	sadd.s32 $0x88, s3;
	s6 =	simm.s32 @!p1 $0x1082;
	[sflag:s4] =	ssyncset.s32 $0xFFFFF086  }
0x25: {  	[simem:s6], [sflag:s4] =	dma.local [hbm:s3], $0xF7A  }
0x26: {  	[smem:$0x3F9E] =	sst s1;
	(tag) =	ssettag s2;
	_ =	strace s9  }
0x27: {  	s1 =	sld [smem:$0x3FAE]  }
0x28: {  	s2 =	sld [smem:$0x3FAF]  }
0x29: {  	s4 =	sld [smem:$0x3FB1]  }
0x2a: {  	p0 =	seq.s32 s5, $0x0;
	s5 =	sld [smem:$0x3FB2]  }
0x2b: {  	s6 =	sld [smem:$0x3FB3]  }
0x2c: {  	s7 =	sld [smem:$0x3FB4]  }
0x2d: {  	s3 =	simm.s32 $0x108;
	s8 =	sld [smem:$0x3FB5]  }
0x2e: {  	s3 =	simm.s32 @!p0 $0x1082;
	s9 =	sld [smem:$0x3FB6]  }
0x2f: {  	lr =	sadd.s32 s0, s3;
	s0 =	sld [smem:$0x3FAD]  }
0x30: {  	s3 =	sld [smem:$0x3FB0]  }
0x31: {  	[smem:$0x3FB9] =	sst s10  }
0x32: {  	s10 =	sld [smem:$0x3FB7];
	_ =	sdelay $0x3  }
0x33: {  	p0 =	seq.s32 s10, $0x1;
	s10 =	sld [smem:$0x3FB9];
	_ =	sdelay $0x3  }
0x34: {  	[smem:$0x3FB9] =	sst s10  }
0x35: {  	s10 =	sld [smem:$0x3FB8];
	_ =	sdelay $0x3  }
0x36: {  	p1 =	seq.s32 s10, $0x1;
	s10 =	sld [smem:$0x3FB9];
	_ =	sdelay $0x3  }
0x37: {  	[smem:$0x3FB9] =	sst s10  }
0x38: {  	s10 =	sld [smem:$0x3FBA]  }
0x39: {  	_ = 	snop;
	(pc) =	sbr.ind lr, $3  }
0x3a: {  	_ = 	snop  }
0x3b: {  	_ = 	snop  }
0x3c: {  	p2 =	seq.s32 s10, $0x1;
	s10 =	sld [smem:$0x3FB9]  }
0x3d: {  	_ =	shalt  }
0x3e: {  	_ =	shalt  }
0x3f: {  	_ =	shalt  }
0x40: {  	_ =	shalt  }
0x41: {  	_ =	shalt  }
0x42: {  	_ =	shalt  }
0x43: {  	_ =	shalt  }
0x44: {  	_ =	shalt  }
0x45: {  	_ =	shalt  }
0x46: {  	_ =	shalt  }
0x47: {  	_ =	shalt  }
0x48: {  	_ =	shalt  }
0x49: {  	_ =	shalt  }
0x4a: {  	_ =	shalt  }
0x4b: {  	_ =	shalt  }
0x4c: {  	_ =	shalt  }
0x4d: {  	_ =	shalt  }
0x4e: {  	_ =	shalt  }
0x4f: {  	_ =	shalt  }
0x50: {  	_ =	shalt  }
0x51: {  	_ =	shalt  }
0x52: {  	_ =	shalt  }
0x53: {  	_ =	shalt  }
0x54: {  	_ =	shalt  }
0x55: {  	_ =	shalt  }
0x56: {  	_ =	shalt  }
0x57: {  	_ =	shalt  }
0x58: {  	_ =	shalt  }
0x59: {  	_ =	shalt  }
0x5a: {  	_ =	shalt  }
0x5b: {  	_ =	shalt  }
0x5c: {  	_ =	shalt  }
0x5d: {  	_ =	shalt  }
0x5e: {  	_ =	shalt  }
0x5f: {  	_ =	shalt  }
0x60: {  	_ =	shalt  }
0x61: {  	_ =	shalt  }
0x62: {  	_ =	shalt  }
0x63: {  	_ =	shalt  }
0x64: {  	_ =	shalt  }
0x65: {  	_ =	shalt  }
0x66: {  	_ =	shalt  }
0x67: {  	_ =	shalt  }
0x68: {  	_ =	shalt  }
0x69: {  	_ =	shalt  }
0x6a: {  	_ =	shalt  }
0x6b: {  	_ =	shalt  }
0x6c: {  	_ =	shalt  }
0x6d: {  	_ =	shalt  }
0x6e: {  	_ =	shalt  }
0x6f: {  	_ =	shalt  }
0x70: {  	_ =	shalt  }
0x71: {  	_ =	shalt  }
0x72: {  	_ =	shalt  }
0x73: {  	_ =	shalt  }
0x74: {  	_ =	shalt  }
0x75: {  	_ =	shalt  }
0x76: {  	_ =	shalt  }
0x77: {  	_ =	shalt  }
0x78: {  	_ =	shalt  }
0x79: {  	_ =	shalt  }
0x7a: {  	_ =	shalt  }
0x7b: {  	_ =	shalt  }
0x7c: {  	_ =	shalt  }
0x7d: {  	_ =	shalt  }
0x7e: {  	_ =	shalt  }
0x7f: {  	_ =	shalt  }
0x80: {  	_ =	shalt  }
0x81: {  	_ =	shalt  }
0x82: {  	_ =	shalt  }
0x83: {  	_ =	shalt  }
0x84: {  	_ =	shalt  }
0x85: {  	_ =	shalt  }
0x86: {  	_ =	shalt  }
0x87: {  	_ =	shalt  }
.Lfunc_end0:
.L_simem_size_0:
called_computation_lowered:
.L_overlay_start_0:
0x88: {  	s2 =	sld [smem:$0x3FD9]  }
0x89: {  	s3 =	sld [smem:$0x3FFE];
	_ =	sdelay $0x1  }
0x8a: {  	s1 =	srdreg.scid  }
0x8b: {  	s0 =	sand.u32 $0x1, s1  }
0x8c: {  	s18 =	sshll.u32 s0, $0xA;
	s2 =	sadd.s32 s3, s2  }
0x8d: {  	s2 =	sadd.s32 s2, s18  }
0x8e: {  	[smem:$0x3FC5] =	sst s2  }
0x8f: {  	_ = 	snop  }
0x90: {  	s2 =	sld [smem:$0x3FC9]  }
0x91: {  	s19 =	sld [smem:$0x3FC8]  }
0x92: {  	s4 =	sld [smem:$0x3FC7]  }
0x93: {  	s5 =	sld [smem:$0x3FD0];
	(tm) =	ssettm $0x1  }
0x94: {  	s6 =	sld [smem:$0x3FFB];
	_ =	sdelay $0x3  }
0x95: {  	_ =	strace s6  }
0x96: {  	s6 =	sld [smem:$0x3FFC];
	_ =	sdelay $0x3  }
0x97: {  	_ =	strace s6  }
0x98: {  	s6 =	sld [smem:$0x3FFD];
	_ =	sdelay $0x3  }
0x99: {  	_ =	strace s6  }
0x9a: {  	_ =	strace $0x8FFFFFFF  }
0x9b: {  	s20 =	sld [smem:$0x3FDB];
	_ =	sdelay $0x1  }
0x9c: {  	s7 =	simm.s32 $_scs_section_size  }
0x9d: {  	s8 =	simm.s32 $_size__tile_overlayer_lowered;
	s9 =	simm.s32 $_tile_overlayer_lowered  }
0x9e: {  	s23 =	simm.s32 $0x1BFF;
	s22 =	sshll.u32 s9, $0x1;
	s6 =	sadd.s32 s7, s20  }
0x9f: {  	s10 =	simm.s32 $0x0;
	s21 =	sshll.u32 s8, $0x1;
	s8 =	sadd.s32 s22, s6  }
0xa0: {  	[timem:s10], [sflag:s23] =	dma.local [hbm:s8], s21  }
0xa1: {  	_ =	swait.ge [sflag:s23], s21  }
0xa2: {  	s7 =	ssub.s32 $0x0, s21;
	[sflag:s23] =	ssyncset.done $0x0  }
0xa3: {  	[sflag:s23] =	ssyncadd.s32 s7;
	_ =	sdelay $0x1  }
0xa4: {  	s24 =	simm.s32 $0x1B8B  }
0xa5: {  	_ =	swait.ge [sflag:s24], $0x1  }
0xa6: {  	[sflag:s24] =	ssyncset.done $0x0  }
0xa7: {  	s25 =	simm.s32 $0x1B8E;
	[sflag:s24] =	ssyncadd.s32 $0xFFFFFFFF  }
0xa8: {  	s26 =	simm.s32 $execute0_lowered;
	[smem:$0x3FD2] =	sst s25  }
0xa9: {  	s7 =	sshll.u32 s26, $0x1;
	_ =	strace $0x80000046;
	[dreg:$0x1] =	wrdreg $0xFFFFFFFF  }
0xaa: {  	s28 =	simm.s32 $_size_execute0_lowered;
	s6 =	sadd.s32 s6, s7;
	[dreg:$0x0] =	wrdreg $0x0  }
0xab: {  	s7 =	sshll.u32 s28, $0x1;
	[dreg:$0x2] =	wrdreg s6  }
0xac: {  	[dreg:$0x3] =	wrdreg s7  }
0xad: {  	[dreg:$0x4] =	wrdreg $0xC0  }
0xae: {  	_ =	task [dreg:s10], $0x5FFFF  }
0xaf: {  	[dreg:$0x1] =	wrdreg $0xFFFFFFFF  }
0xb0: {  	[dreg:$0x0] =	wrdreg $0x60  }
0xb1: {  	[dreg:$0x2] =	wrdreg s2  }
0xb2: {  	[dreg:$0x3] =	wrdreg s19  }
0xb3: {  	[dreg:$0x4] =	wrdreg s4  }
0xb4: {  	[dreg:$0x5] =	wrdreg s5  }
0xb5: {  	[dreg:$0x6] =	wrdreg $0x9  }
0xb6: {  	_ =	task.clear_ibuf [dreg:s10], $0x7FFFF;
	_ =	strace $0x90000046  }
0xb7: {  	s29 =	simm.s32 $0x9;
	_ =	strace $0x80000048  }
0xb8: {  	_ =	swait.ge [sflag:s29], $0x1  }
0xb9: {  	[sflag:s29] =	ssyncadd.s32 $0xFFFFFFFF  }
0xba: {  	_ =	strace $0x90000048  }
0xbb: {  	_ =	sfence  }
0xbc: {  	s30 =	sld [smem:$0x0];
	_ =	sdelay $0x2  }
0xbd: {  	s31 =	sshll.u32 s1, $0xD;
	s1 =	sshrl.u32 s1, $0x2  }
0xbe: {  	s3 =	sand.u32 $0x4000, s31;
	s1 =	sadd.s32 s1, s30  }
0xbf: {  	s0 =	sor.u32 s3, s0;
	s1 =	sshll.u32 s1, $0x11  }
0xc0: {  	s0 =	sor.u32 s1, s0  }
0xc1: {  	s0 =	sadd.s32 $0x8F2B, s0  }
0xc2: {  	[sflag:s0] =	ssyncadd.remote.s32 $0x1  }
0xc3: {  	_ =	sfence.sel $0xFFFF  }
0xc4: {  	[dreg:$0x0] =	wrdreg $0xFFFFFFFF;
	(pc) =	sbr.abs _section_cstart, $3  }
0xc5: {  	[dreg:$0x1] =	wrdreg $0xFFFFFFFF  }
0xc6: {  	_ =	task.clear_ibuf [dreg:s10], $0x2FFFF;
	_ =	strace $0x9FFFFFFF  }
0xc7: {  	(tm) =	ssettm $0x7FFFFFFF  }
tec
execute0_lowered:
.L_overlay_start_1:
0x0: {  	(tag) =	ssettag $0x1  }
0x1: {  	s1 =	rddreg [dreg:$0x0]  }
0x2: {  	s2 =	rddreg [dreg:$0x1]  }
0x3: {  	s3 =	rddreg [dreg:$0x2]  }
0x4: {  	s5 =	rddreg [dreg:$0x3];
	s0 =	srdreg.scid  }
0x5: {  	s6 =	simm.s32 $0x0;
	s4 =	stileid.u32;
	s12 =	simm.s32 $0x5  }
0x6: {  	s13 =	simm.s32 $0x6400;
	s14 =	simm.s32 $0xC800;
	s15 =	simm.s32 $0x10800  }
0x7: {  	s16 =	simm.s32 $0x1;
	s17 =	simm.s32 $0x14800;
	s18 =	simm.s32 $0x2  }
0x8: {  	s19 =	simm.s32 $0x4;
	s20 =	simm.s32 $0x18800;
	s21 =	simm.s32 $0x3  }
0x9: {  	s22 =	simm.s32 $0x0;
	s0 =	sand.u32 $0x1, s0;
	s8 =	sshll.u32 s4, $0x11  }
0xa: {  	v0 =	vlaneseq.u32;
	[smem:$0x7FF] =	sst s6;
	s7 =	ssub.s32 $0x2, s0;
	s0 =	sshll.u32 s0, $0x10  }
0xb: {  	v1 =	vor.u32 $0x10, v0;
	_ =	strace $0x80000047;
	s9 =	sshrl.u32 s7, $0x1;
	s0 =	sor.u32 s0, s8  }
0xc: {  	v2 =	vor.u32 $0x20, v0;
	v3 =	vor.u32 $0x30, v0;
	v4 =	vor.u32 $0x40, v0;
	s11 =	ssub.s32 s7, s9;
	s7 =	sadd.s32 s1, s0;
	s8 =	sor.u32 $0x800, s0  }
0xd: {  	v5 =	vor.u32 $0x50, v0;
	v6 =	vor.u32 $0x60, v0;
	v7 =	vor.u32 $0x70, v0;
	s9 =	sadd.s32 s5, s0;
	s10 =	sadd.s32 $0x1000, s7;
	s11 =	smax.u32 s11, $0x1  }
.LBB2_1:
0xe: {  	[tilespmem:s6], [sflag:$0x5] =	stream.linear.gather [hbm4b:s2+s6], $0x6400, $0x38;
	[tilespmem:$0x1C800] =	vst v63  }
0xf: {  	_ =	swait.ge [sflag:s12], $0x6400  }
0x10: {  	[sflag:s12] =	ssyncset.done $0x0  }
0x11: {  	[sflag:s12] =	ssyncadd.s32 $0xFFFF9C00  }
0x12: {  	[tilespmem:s13], [sflag:$0x5] =	stream.linear.gather [hbm4b:s3+s6], $0x6400, $0x38;
	[tilespmem:$0x1C800] =	vst v63  }
0x13: {  	_ =	swait.ge [sflag:s12], $0x6400  }
0x14: {  	[sflag:s12] =	ssyncset.done $0x0  }
0x15: {  	s23 =	simm.s32 $0x0;
	[sflag:s12] =	ssyncadd.s32 $0xFFFF9C00  }
0x16: {  	[tilespmem:s14], [sflag:$0x1] =	stream.linear.gather [hbm4b:s7+s6], $0x4000, $0x38;
	[tilespmem:$0x1C800] =	vst v63  }
.LBB2_2:
0x17: {  	s25 =	sshll.u32 s23, $0xC  }
0x18: {  	s24 =	sadd.s32 s8, s25  }
0x19: {  	s0 =	sadd.s32 s1, s24  }
0x1a: {  	[tilespmem:s15], [sflag:$0x2] =	stream.linear.gather [hbm4b:s0+s6], $0x4000, $0x38;
	[tilespmem:$0x1C800] =	vst v63  }
0x1b: {  	p0 =	seq.s32 s23, $0x0;
	_ =	swait.ge [sflag:s16], $0x4000  }
0x1c: {  	s28 =	simm.s32 $0x0;
	s29 =	simm.s32 $0x0;
	[sflag:s16] =	ssyncset.done $0x0  }
0x1d: {  	s26 =	simm.s32 @!p0 $0x3;
	s0 =	sand.u32 $0x80, s28;
	[sflag:s16] =	ssyncadd.s32 $0xFFFFC000  }
0x1e: {  	s28 =	sand.u32 $0x3800, s28;
	s30 =	sshll.u32 s0, $0x3;
	_ =	swait.ge @!p0 [sflag:s26], $0x4000  }
0x1f: {  	s29 =	sand.u32 $0x380, s29;
	s28 =	sor.u32 s28, s30;
	[sflag:s26] =	ssyncset.done @!p0 $0x0  }
0x20: {  	[sflag:s26] =	ssyncadd.s32 @!p0 $0xFFFFC000;
	s26 =	sor.u32 s29, s28  }
0x21: {  	v8 =	vld [tilespmem:s26+$0xC870]  }
0x22: {  	v9 =	vld [tilespmem:s26+$0xC800]  }
0x23: {  	v10 =	vld [tilespmem:s26+$0xC810]  }
0x24: {  	v11 =	vld [tilespmem:s26+$0xC820]  }
0x25: {  	v12 =	vld [tilespmem:s26+$0xC830]  }
0x26: {  	v13 =	vld [tilespmem:s26+$0xC840]  }
0x27: {  	v14 =	vld [tilespmem:s26+$0xC850]  }
0x28: {  	v15 =	vld [tilespmem:s26+$0xC860]  }
0x29: {  	v8 =	vmul.f32 $1.250000000e+01, v8;
	v10 =	vmul.f32 $1.250000000e+01, v10  }
0x2a: {  	v11 =	vmul.f32 $1.250000000e+01, v11;
	v12 =	vmul.f32 $1.250000000e+01, v12  }
0x2b: {  	v13 =	vmul.f32 $1.250000000e+01, v13;
	v8 =	vadd.f32 $4.950000000e+01, v8;
	v10 =	vadd.f32 $4.950000000e+01, v10  }
0x2c: {  	v9 =	vmul.f32 $1.250000000e+01, v9;
	v11 =	vadd.f32 $4.950000000e+01, v11;
	v17 =	vadd.f32 $4.950000000e+01, v12  }
0x2d: {  	v12 =	vmul.f32 $1.250000000e+01, v14;
	v18 =	vadd.f32 $4.950000000e+01, v13;
	v13 =	vmul.f32 $1.250000000e+01, v15  }
0x2e: {  	v9 =	vadd.f32 $4.950000000e+01, v9;
	v16 =	vmax.f32 v8, $-5.000000000e-01;
	v15 =	vmax.f32 v10, $-5.000000000e-01  }
0x2f: {  	v19 =	vadd.f32 $4.950000000e+01, v12;
	v20 =	vmax.f32 v11, $-5.000000000e-01;
	v21 =	vadd.f32 $4.950000000e+01, v13  }
0x30: {  	v13 =	vmax.f32 v17, $-5.000000000e-01;
	v22 =	vmax.f32 v18, $-5.000000000e-01;
	v16 =	vmin.f32 v16, $9.750000760e+01  }
0x31: {  	v15 =	vmin.f32 v15, $9.750000760e+01;
	v20 =	vmin.f32 v20, $9.750000760e+01;
	v14 =	vadd.f32 $1.258291200e+07, v16  }
0x32: {  	v13 =	vmin.f32 v13, $9.750000760e+01;
	v22 =	vmin.f32 v22, $9.750000760e+01;
	v16 =	vmax.f32 v9, $-5.000000000e-01  }
0x33: {  	v23 =	vmax.f32 v19, $-5.000000000e-01;
	v24 =	vmax.f32 v21, $-5.000000000e-01;
	v12 =	vshll.u32 v14, $0x8  }
0x34: {  	v15 =	vadd.f32 $1.258291200e+07, v15;
	v20 =	vadd.f32 $1.258291200e+07, v20;
	v12 =	vand.u32 $0x3FF00, v12  }
0x35: {  	s30 =	simm.s32 $0x80;
	v13 =	vadd.f32 $1.258291200e+07, v13;
	v22 =	vadd.f32 $1.258291200e+07, v22;
	v12 =	vor.u32 s0, v12  }
0x36: {  	s29 =	sand.u32 $0x80, s30;
	v16 =	vmin.f32 v16, $9.750000760e+01;
	v14 =	vadd.f32 $-1.258291200e+07, v14;
	v12 =	vor.u32 v7, v12  }
0x37: {  	s31 =	simm.s32 $0x40;
	s28 =	sand.u32 $0x3800, s30;
	s4 =	sshll.u32 s29, $0x3;
	v23 =	vmin.f32 v23, $9.750000760e+01;
	v24 =	vmin.f32 v24, $9.750000760e+01;
	v29 =	vshll.u32 v13, $0x8  }
0x38: {  	s4 =	sor.u32 s28, s4;
	s28 =	sand.u32 $0x380, s31;
	v16 =	vadd.f32 $1.258291200e+07, v16;
	v8 =	vsub.f32 v8, v14;
	v14 =	vand.u32 $0x3FF00, v29  }
0x39: {  	s28 =	sor.u32 s28, s4;
	v23 =	vadd.f32 $1.258291200e+07, v23;
	v26 =	vshll.u32 v15, $0x8;
	v14 =	vor.u32 s0, v14  }
0x3a: {  	v28 =	vshll.u32 v20, $0x8;
	v36 =	vor.u32 v3, v14;
	v14 =	vadd.f32 $-1.258291200e+07, v15;
	v15 =	vld [tilespmem:s28+$0xC800]  }
0x3b: {  	v24 =	vadd.f32 $1.258291200e+07, v24;
	v30 =	vshll.u32 v22, $0x8;
	v22 =	vadd.f32 $-1.258291200e+07, v22;
	v27 =	vld.idx.msk [tilespmem:v12+s13+$0x0], $0xffff  }
0x3c: {  	v26 =	vand.u32 $0x3FF00, v26;
	v28 =	vand.u32 $0x3FF00, v28;
	v25 =	vshll.u32 v16, $0x8  }
0x3d: {  	v31 =	vshll.u32 v23, $0x8;
	v32 =	vshll.u32 v24, $0x8;
	v29 =	vand.u32 $0x3FF00, v30  }
0x3e: {  	v26 =	vor.u32 s0, v26;
	v23 =	vadd.f32 $-1.258291200e+07, v23;
	v25 =	vand.u32 $0x3FF00, v25;
	v12 =	vld.idx.msk [tilespmem:v12+s6+$0x0], $0xffff  }
0x3f: {  	v30 =	vand.u32 $0x3FF00, v31;
	v31 =	vand.u32 $0x3FF00, v32;
	v62 =	vor.u32 v1, v26  }
0x40: {  	v25 =	vor.u32 s0, v25;
	v15 =	vmul.f32 $1.250000000e+01, v15;
	v8 =	vmul.f32 v8, v27  }
0x41: {  	v26 =	vld [tilespmem:s28+$0xC810];
	v27 =	vor.u32 s0, v28;
	v28 =	vor.u32 s0, v29;
	v29 =	vor.u32 s0, v30  }
0x42: {  	v30 =	vor.u32 v0, v25;
	v25 =	vld [tilespmem:s28+$0xC870];
	v43 =	vor.u32 v4, v28;
	v44 =	vor.u32 v5, v29  }
0x43: {  	v34 =	vadd.f32 v8, v12;
	v8 =	vor.u32 s0, v31;
	v12 =	vadd.f32 $-1.258291200e+07, v16  }
0x44: {  	v31 =	vor.u32 v2, v27;
	v16 =	vadd.f32 $-1.258291200e+07, v20;
	v20 =	vadd.f32 $-1.258291200e+07, v13;
	v27 =	vld [tilespmem:s28+$0xC820]  }
0x45: {  	v13 =	vsub.f32 v10, v14;
	v48 =	vor.u32 v6, v8;
	v8 =	vadd.f32 $-1.258291200e+07, v24;
	v24 =	vld [tilespmem:s28+$0xC830]  }
0x46: {  	v29 =	vld [tilespmem:s28+$0xC840];
	v28 =	vsub.f32 v9, v12;
	v12 =	vsub.f32 v11, v16;
	v16 =	vmul.f32 $1.250000000e+01, v26  }
0x47: {  	v10 =	vsub.f32 v18, v22;
	v11 =	vsub.f32 v17, v20;
	v20 =	vld [tilespmem:s28+$0xC850];
	v14 =	vmul.f32 $1.250000000e+01, v25  }
0x48: {  	v9 =	vsub.f32 v19, v23;
	v16 =	vadd.f32 $4.950000000e+01, v16  }
0x49: {  	v22 =	vld [tilespmem:s28+$0xC860];
	v45 =	vadd.f32 $4.950000000e+01, v14;
	v14 =	vadd.f32 $4.950000000e+01, v15;
	v15 =	vmul.f32 $1.250000000e+01, v27  }
0x4a: {  	v8 =	vsub.f32 v21, v8;
	v18 =	vmul.f32 $1.250000000e+01, v24;
	v25 =	vmax.f32 v16, $-5.000000000e-01  }
0x4b: {  	v19 =	vmax.f32 v45, $-5.000000000e-01;
	v17 =	vadd.f32 $4.950000000e+01, v15;
	v15 =	vmul.f32 $1.250000000e+01, v29  }
0x4c: {  	v20 =	vmul.f32 $1.250000000e+01, v20;
	v21 =	vmax.f32 v14, $-5.000000000e-01;
	v19 =	vmin.f32 v19, $9.750000760e+01  }
0x4d: {  	v39 =	vmin.f32 v25, $9.750000760e+01;
	v18 =	vadd.f32 $4.950000000e+01, v18;
	v29 =	vadd.f32 $1.258291200e+07, v19  }
0x4e: {  	v21 =	vmin.f32 v21, $9.750000760e+01;
	v19 =	vadd.f32 $4.950000000e+01, v15;
	v15 =	vmul.f32 $1.250000000e+01, v22  }
0x4f: {  	v32 =	vld.idx.msk [tilespmem:v44+s6+$0x0], $0xffff;
	v20 =	vadd.f32 $4.950000000e+01, v20;
	v26 =	vmax.f32 v17, $-5.000000000e-01;
	v22 =	vshll.u32 v29, $0x8  }
0x50: {  	v27 =	vld.idx.msk [tilespmem:v30+s13+$0x0], $0xffff;
	v42 =	vadd.f32 $1.258291200e+07, v21;
	v33 =	vmax.f32 v18, $-5.000000000e-01;
	v23 =	vand.u32 $0x3FF00, v22  }
0x51: {  	[tilespmem:s26+$0x14870] =	vst v34;
	v34 =	vld.idx.msk [tilespmem:v48+s6+$0x0], $0xffff;
	v40 =	vmin.f32 v26, $9.750000760e+01;
	v15 =	vadd.f32 $4.950000000e+01, v15;
	v24 =	vor.u32 s29, v23  }
0x52: {  	v25 =	vld.idx.msk [tilespmem:v43+s13+$0x0], $0xffff;
	v35 =	vmax.f32 v19, $-5.000000000e-01;
	v37 =	vmax.f32 v20, $-5.000000000e-01;
	v46 =	vor.u32 v7, v24  }
0x53: {  	v21 =	vld.idx.msk [tilespmem:v48+s13+$0x0], $0xffff;
	v33 =	vmin.f32 v33, $9.750000760e+01;
	v40 =	vadd.f32 $1.258291200e+07, v40;
	v29 =	vadd.f32 $-1.258291200e+07, v29  }
0x54: {  	v26 =	vld.idx.msk [tilespmem:v44+s13+$0x0], $0xffff;
	v35 =	vmin.f32 v35, $9.750000760e+01;
	v47 =	vmin.f32 v37, $9.750000760e+01;
	v37 =	vadd.f32 $1.258291200e+07, v39  }
0x55: {  	v22 =	vld.idx.msk [tilespmem:v62+s13+$0x0], $0xffff;
	v38 =	vmax.f32 v15, $-5.000000000e-01;
	v41 =	vadd.f32 $1.258291200e+07, v35;
	v39 =	vadd.f32 $1.258291200e+07, v47  }
0x56: {  	v49 =	vmin.f32 v38, $9.750000760e+01;
	v38 =	vadd.f32 $1.258291200e+07, v33;
	v33 =	vmul.f32 v28, v27;
	v27 =	vld.idx.msk [tilespmem:v30+s6+$0x0], $0xffff  }
0x57: {  	v51 =	vshll.u32 v40, $0x8;
	v54 =	vsub.f32 v45, v29;
	v30 =	vshll.u32 v42, $0x8;
	v63 =	vld.idx.msk [tilespmem:v46+s13+$0x0], $0xffff  }
0x58: {  	v50 =	vshll.u32 v37, $0x8;
	v28 =	vld.idx.msk [tilespmem:v62+s6+$0x0], $0xffff;
	v51 =	vand.u32 $0x3FF00, v51;
	v35 =	vadd.f32 $1.258291200e+07, v49  }
0x59: {  	v61 =	vshll.u32 v41, $0x8;
	v62 =	vand.u32 $0x3FF00, v30;
	v53 =	vshll.u32 v39, $0x8;
	v52 =	vld.idx.msk [tilespmem:v46+s6+$0x0], $0xffff  }
0x5a: {  	v23 =	vld.idx.msk [tilespmem:v31+s13+$0x0], $0xffff;
	v50 =	vand.u32 $0x3FF00, v50;
	v60 =	vshll.u32 v38, $0x8;
	v57 =	vand.u32 $0x3FF00, v61  }
0x5b: {  	v29 =	vld.idx.msk [tilespmem:v31+s6+$0x0], $0xffff;
	v53 =	vand.u32 $0x3FF00, v53;
	v45 =	vor.u32 s29, v62;
	v49 =	vor.u32 s29, v50  }
0x5c: {  	v24 =	vld.idx.msk [tilespmem:v36+s13+$0x0], $0xffff;
	v55 =	vshll.u32 v35, $0x8;
	v56 =	vand.u32 $0x3FF00, v60;
	v63 =	vmul.f32 v54, v63  }
0x5d: {  	v30 =	vld.idx.msk [tilespmem:v36+s6+$0x0], $0xffff;
	v48 =	vor.u32 s29, v57;
	v44 =	vor.u32 s29, v53;
	v36 =	vand.u32 $0x3FF00, v55  }
0x5e: {  	v31 =	vld.idx.msk [tilespmem:v43+s6+$0x0], $0xffff;
	v47 =	vor.u32 s29, v56;
	v46 =	vor.u32 s29, v51;
	v43 =	vadd.f32 v63, v52  }
.LBB2_3:
0x5f: {  	s30 =	sadd.s32 $0x80, s30;
	v45 =	vor.u32 v0, v45;
	v49 =	vor.u32 v1, v49;
	v36 =	vor.u32 s29, v36  }
0x60: {  	v46 =	vor.u32 v2, v46;
	v47 =	vor.u32 v3, v47;
	v48 =	vor.u32 v4, v48;
	s29 =	sand.u32 $0x80, s30;
	p1 =	slt.u32 s30, $0x3F80;
	[tilespmem:s28+$0x14870] =	vst v43  }
0x61: {  	v42 =	vadd.f32 $-1.258291200e+07, v42;
	s31 =	sadd.s32 $0x40, s31;
	s0 =	sand.u32 $0x3800, s30;
	v43 =	vor.u32 v5, v44;
	v36 =	vor.u32 v6, v36;
	s4 =	sshll.u32 s29, $0x3  }
0x62: {  	v37 =	vadd.f32 $-1.258291200e+07, v37;
	v40 =	vadd.f32 $-1.258291200e+07, v40;
	v22 =	vmul.f32 v13, v22;
	s0 =	sor.u32 s0, s4;
	s4 =	sand.u32 $0x380, s31  }
0x63: {  	v38 =	vadd.f32 $-1.258291200e+07, v38;
	v41 =	vadd.f32 $-1.258291200e+07, v41;
	v23 =	vmul.f32 v12, v23;
	s0 =	sor.u32 s4, s0  }
0x64: {  	v39 =	vadd.f32 $-1.258291200e+07, v39;
	v35 =	vadd.f32 $-1.258291200e+07, v35;
	v24 =	vmul.f32 v11, v24;
	v44 =	vld [tilespmem:s0+$0xC870]  }
0x65: {  	v51 =	vsub.f32 v14, v42;
	v13 =	vsub.f32 v16, v37;
	v14 =	vmul.f32 v10, v25;
	v50 =	vld [tilespmem:s0+$0xC800]  }
0x66: {  	v12 =	vsub.f32 v17, v40;
	v11 =	vsub.f32 v18, v38;
	v17 =	vmul.f32 v9, v26;
	v16 =	vld [tilespmem:s0+$0xC810]  }
0x67: {  	v10 =	vsub.f32 v19, v41;
	v9 =	vsub.f32 v20, v39;
	v19 =	vmul.f32 v8, v21;
	v18 =	vld [tilespmem:s0+$0xC820]  }
0x68: {  	v8 =	vsub.f32 v15, v35;
	v15 =	vadd.f32 v33, v27;
	v20 =	vld [tilespmem:s0+$0xC830]  }
0x69: {  	v22 =	vadd.f32 v22, v28;
	v23 =	vadd.f32 v23, v29;
	v21 =	vld [tilespmem:s0+$0xC840];
	v25 =	vmul.f32 $1.250000000e+01, v44  }
0x6a: {  	v26 =	vmul.f32 $1.250000000e+01, v50;
	v27 =	vld [tilespmem:s0+$0xC850];
	[tilespmem:s26+$0x14800] =	vst v15;
	v15 =	vadd.f32 v24, v30;
	v24 =	vadd.f32 v14, v31  }
0x6b: {  	v16 =	vmul.f32 $1.250000000e+01, v16;
	v28 =	vld [tilespmem:s0+$0xC860];
	v44 =	vadd.f32 $4.950000000e+01, v25;
	[tilespmem:s26+$0x14810] =	vst v22;
	v25 =	vadd.f32 v17, v32  }
0x6c: {  	v14 =	vadd.f32 $4.950000000e+01, v26;
	v17 =	vmul.f32 $1.250000000e+01, v18;
	v32 =	vld.idx.msk [tilespmem:v45+s13+$0x0], $0xffff;
	[tilespmem:s26+$0x14820] =	vst v23;
	v26 =	vadd.f32 v19, v34  }
0x6d: {  	v16 =	vadd.f32 $4.950000000e+01, v16;
	v18 =	vmul.f32 $1.250000000e+01, v20;
	v19 =	vmax.f32 v44, $-5.000000000e-01;
	v22 =	vld.idx.msk [tilespmem:v49+s13+$0x0], $0xffff;
	[tilespmem:s26+$0x14830] =	vst v15  }
0x6e: {  	v17 =	vadd.f32 $4.950000000e+01, v17;
	v15 =	vmul.f32 $1.250000000e+01, v21;
	v19 =	vmin.f32 v19, $9.750000760e+01;
	v23 =	vld.idx.msk [tilespmem:v46+s13+$0x0], $0xffff;
	[tilespmem:s26+$0x14840] =	vst v24  }
0x6f: {  	v18 =	vadd.f32 $4.950000000e+01, v18;
	v20 =	vmul.f32 $1.250000000e+01, v27;
	v50 =	vadd.f32 $1.258291200e+07, v19;
	v24 =	vld.idx.msk [tilespmem:v47+s13+$0x0], $0xffff;
	[tilespmem:s26+$0x14850] =	vst v25  }
0x70: {  	v29 =	vmax.f32 v14, $-5.000000000e-01;
	v19 =	vadd.f32 $4.950000000e+01, v15;
	v15 =	vmul.f32 $1.250000000e+01, v28;
	v25 =	vld.idx.msk [tilespmem:v48+s13+$0x0], $0xffff;
	[tilespmem:s26+$0x14860] =	vst v26;
	s26 =	smov.u32 s28;
	s28 =	smov.u32 s0  }
0x71: {  	v30 =	vmax.f32 v16, $-5.000000000e-01;
	v20 =	vadd.f32 $4.950000000e+01, v20;
	v21 =	vshll.u32 v50, $0x8;
	v26 =	vld.idx.msk [tilespmem:v43+s13+$0x0], $0xffff  }
0x72: {  	v31 =	vmax.f32 v17, $-5.000000000e-01;
	v15 =	vadd.f32 $4.950000000e+01, v15;
	v27 =	vand.u32 $0x3FF00, v21;
	v21 =	vld.idx.msk [tilespmem:v36+s13+$0x0], $0xffff  }
0x73: {  	v33 =	vmax.f32 v18, $-5.000000000e-01;
	v34 =	vmax.f32 v19, $-5.000000000e-01;
	v28 =	vor.u32 s29, v27;
	v27 =	vld.idx.msk [tilespmem:v45+s6+$0x0], $0xffff  }
0x74: {  	v35 =	vmax.f32 v20, $-5.000000000e-01;
	v38 =	vmax.f32 v15, $-5.000000000e-01;
	v45 =	vor.u32 v7, v28;
	v28 =	vld.idx.msk [tilespmem:v49+s6+$0x0], $0xffff  }
0x75: {  	v37 =	vmin.f32 v29, $9.750000760e+01;
	v39 =	vmin.f32 v30, $9.750000760e+01;
	v40 =	vmin.f32 v31, $9.750000760e+01;
	v29 =	vld.idx.msk [tilespmem:v46+s6+$0x0], $0xffff  }
0x76: {  	v33 =	vmin.f32 v33, $9.750000760e+01;
	v34 =	vmin.f32 v34, $9.750000760e+01;
	v35 =	vmin.f32 v35, $9.750000760e+01;
	v30 =	vld.idx.msk [tilespmem:v47+s6+$0x0], $0xffff  }
0x77: {  	v42 =	vadd.f32 $1.258291200e+07, v37;
	v37 =	vadd.f32 $1.258291200e+07, v39;
	v46 =	vmin.f32 v38, $9.750000760e+01;
	v31 =	vld.idx.msk [tilespmem:v48+s6+$0x0], $0xffff  }
0x78: {  	v40 =	vadd.f32 $1.258291200e+07, v40;
	v38 =	vadd.f32 $1.258291200e+07, v33;
	v33 =	vmul.f32 v51, v32;
	v32 =	vld.idx.msk [tilespmem:v43+s6+$0x0], $0xffff  }
0x79: {  	v41 =	vadd.f32 $1.258291200e+07, v34;
	v39 =	vadd.f32 $1.258291200e+07, v35;
	v43 =	vshll.u32 v42, $0x8;
	v47 =	vld.idx.msk [tilespmem:v45+s13+$0x0], $0xffff  }
0x7a: {  	v49 =	vshll.u32 v40, $0x8;
	v35 =	vadd.f32 $1.258291200e+07, v46;
	v48 =	vshll.u32 v37, $0x8;
	v34 =	vld.idx.msk [tilespmem:v36+s6+$0x0], $0xffff  }
0x7b: {  	v50 =	vadd.f32 $-1.258291200e+07, v50;
	v46 =	vshll.u32 v41, $0x8;
	v36 =	vshll.u32 v38, $0x8;
	v51 =	vld.idx.msk [tilespmem:v45+s6+$0x0], $0xffff  }
0x7c: {  	v52 =	vshll.u32 v35, $0x8;
	v43 =	vand.u32 $0x3FF00, v43;
	v45 =	vshll.u32 v39, $0x8  }
.Ltmp0:
0x7d: {  	v44 =	vsub.f32 v44, v50;
	v53 =	vand.u32 $0x3FF00, v49;
	v48 =	vand.u32 $0x3FF00, v48;
	(pc) =	sbr.rel @p1 .LBB2_3-.Ltmp0, $4  }
0x7e: {  	v54 =	vand.u32 $0x3FF00, v46;
	v50 =	vand.u32 $0x3FF00, v36;
	v55 =	vand.u32 $0x3FF00, v45  }
0x7f: {  	v36 =	vand.u32 $0x3FF00, v52;
	v45 =	vor.u32 s29, v43;
	v43 =	vmul.f32 v44, v47  }
0x80: {  	v46 =	vor.u32 s29, v53;
	v49 =	vor.u32 s29, v48;
	v47 =	vor.u32 s29, v50  }
0x81: {  	v48 =	vor.u32 s29, v54;
	v44 =	vor.u32 s29, v55;
	v43 =	vadd.f32 v43, v51  }
0x82: {  	v45 =	vor.u32 v0, v45  }
0x83: {  	v49 =	vor.u32 v1, v49  }
0x84: {  	v46 =	vor.u32 v2, v46  }
0x85: {  	v47 =	vor.u32 v3, v47  }
0x86: {  	v48 =	vor.u32 v4, v48  }
0x87: {  	v44 =	vor.u32 v5, v44;
	v42 =	vadd.f32 $-1.258291200e+07, v42;
	v50 =	vld.idx.msk [tilespmem:v45+s13+$0x0], $0xffff  }
0x88: {  	v37 =	vadd.f32 $-1.258291200e+07, v37;
	v40 =	vadd.f32 $-1.258291200e+07, v40;
	v13 =	vmul.f32 v13, v22;
	v51 =	vld.idx.msk [tilespmem:v49+s13+$0x0], $0xffff  }
0x89: {  	v60 =	vadd.f32 $-1.258291200e+07, v38;
	v41 =	vadd.f32 $-1.258291200e+07, v41;
	v12 =	vmul.f32 v12, v23;
	v61 =	vld.idx.msk [tilespmem:v46+s13+$0x0], $0xffff  }
0x8a: {  	v62 =	vadd.f32 $-1.258291200e+07, v39;
	v11 =	vmul.f32 v11, v24;
	v10 =	vmul.f32 v10, v25;
	v63 =	vld.idx.msk [tilespmem:v47+s13+$0x0], $0xffff  }
0x8b: {  	v9 =	vmul.f32 v9, v26;
	v8 =	vmul.f32 v8, v21;
	v14 =	vsub.f32 v14, v42;
	v42 =	vld.idx.msk [tilespmem:v48+s13+$0x0], $0xffff  }
0x8c: {  	v36 =	vor.u32 s29, v36;
	[tilespmem:s28+$0x14870] =	vst v43;
	v43 =	vadd.f32 v33, v27;
	v16 =	vsub.f32 v16, v37;
	v52 =	vld.idx.msk [tilespmem:v44+s13+$0x0], $0xffff  }
0x8d: {  	v36 =	vor.u32 v6, v36;
	v17 =	vsub.f32 v17, v40;
	v13 =	vadd.f32 v13, v28;
	v54 =	vld.idx.msk [tilespmem:v45+s6+$0x0], $0xffff  }
0x8e: {  	v18 =	vsub.f32 v18, v60;
	v12 =	vadd.f32 v12, v29;
	[tilespmem:s26+$0x14800] =	vst v43;
	v55 =	vld.idx.msk [tilespmem:v49+s6+$0x0], $0xffff  }
0x8f: {  	v19 =	vsub.f32 v19, v41;
	v11 =	vadd.f32 v11, v30;
	[tilespmem:s26+$0x14810] =	vst v13;
	v56 =	vld.idx.msk [tilespmem:v46+s6+$0x0], $0xffff  }
0x90: {  	v20 =	vsub.f32 v20, v62;
	v10 =	vadd.f32 v10, v31;
	[tilespmem:s26+$0x14820] =	vst v12;
	v57 =	vld.idx.msk [tilespmem:v47+s6+$0x0], $0xffff  }
0x91: {  	v9 =	vadd.f32 v9, v32;
	[tilespmem:s26+$0x14830] =	vst v11;
	v58 =	vld.idx.msk [tilespmem:v48+s6+$0x0], $0xffff;
	v14 =	vmul.f32 v14, v50  }
0x92: {  	v8 =	vadd.f32 v8, v34;
	[tilespmem:s26+$0x14840] =	vst v10;
	v53 =	vld.idx.msk [tilespmem:v36+s13+$0x0], $0xffff;
	v16 =	vmul.f32 v16, v51  }
0x93: {  	v59 =	vadd.f32 $-1.258291200e+07, v35;
	[tilespmem:s26+$0x14850] =	vst v9;
	v60 =	vld.idx.msk [tilespmem:v44+s6+$0x0], $0xffff;
	v17 =	vmul.f32 v17, v61;
	v14 =	vadd.f32 v14, v54  }
0x94: {  	[tilespmem:s26+$0x14860] =	vst v8;
	v8 =	vld.idx.msk [tilespmem:v36+s6+$0x0], $0xffff;
	v18 =	vmul.f32 v18, v63;
	v13 =	vadd.f32 v16, v55  }
0x95: {  	v15 =	vsub.f32 v15, v59;
	v61 =	vmul.f32 v19, v42;
	v12 =	vadd.f32 v17, v56;
	[tilespmem:s28+$0x14800] =	vst v14  }
0x96: {  	v62 =	vmul.f32 v20, v52;
	v11 =	vadd.f32 v18, v57;
	[tilespmem:s28+$0x14810] =	vst v13  }
0x97: {  	p1 =	sne.s32 s23, $0xF;
	v63 =	vmul.f32 v15, v53;
	v10 =	vadd.f32 v61, v58;
	[tilespmem:s28+$0x14820] =	vst v12  }
.Ltmp1:
0x98: {  	v9 =	vadd.f32 v62, v60;
	[tilespmem:s28+$0x14830] =	vst v11;
	(pc) =	sbr.rel @p1 .LBB2_6-.Ltmp1, $4  }
0x99: {  	v8 =	vadd.f32 v63, v8;
	[tilespmem:s28+$0x14840] =	vst v10  }
0x9a: {  	[tilespmem:s28+$0x14850] =	vst v9  }
0x9b: {  	s0 =	sadd.s32 s25, s9;
	[tilespmem:s28+$0x14860] =	vst v8  }
0x9c: {  	[hbm4b:s0+s6] =	stream.linear.scatter [tilespmem:s17], [sflag:$0x3], $0x4000, $0x38;
	[tilespmem:$0x1C800] =	vst v63  }
.Ltmp2:
0x9d: {  	(pc) =	sbr.rel .LBB2_7-.Ltmp2, $4  }
0x9e: {  	_ = 	snop  }
0x9f: {  	_ =	swait.ge [sflag:s18], $0x4000  }
0xa0: {  	[sflag:s18] =	ssyncset.done $0x0  }
0xa1: {  	[sflag:s18] =	ssyncadd.s32 $0xFFFFC000  }
.LBB2_6:
.Ltmp3:
0xa2: {  	s0 =	sadd.s32 s25, s10;
	(pc) =	sbr.rel @p0 .LBB2_8-.Ltmp3, $4  }
0xa3: {  	[tilespmem:s14], [sflag:$0x1] =	stream.linear.gather [hbm4b:s0+s6], $0x4000, $0x38;
	[tilespmem:$0x1C800] =	vst v63  }
0xa4: {  	_ =	swait.ge [sflag:s18], $0x4000  }
0xa5: {  	[sflag:s18] =	ssyncset.done $0x0  }
0xa6: {  	[sflag:s18] =	ssyncadd.s32 $0xFFFFC000  }
.LBB2_7:
0xa7: {  	_ =	swait.ge [sflag:s19], $0x4000  }
0xa8: {  	[sflag:s19] =	ssyncset.done $0x0  }
0xa9: {  	[sflag:s19] =	ssyncadd.s32 $0xFFFFC000  }
.LBB2_8:
0xaa: {  	s4 =	simm.s32 $0x0  }
0xab: {  	s0 =	sand.u32 $0x80, s4  }
0xac: {  	s25 =	simm.s32 $0x0;
	s4 =	sand.u32 $0x3800, s4;
	s26 =	sshll.u32 s0, $0x3  }
0xad: {  	s25 =	sand.u32 $0x380, s25;
	s4 =	sor.u32 s4, s26  }
0xae: {  	s25 =	sor.u32 s25, s4  }
0xaf: {  	v8 =	vld [tilespmem:s25+$0x10870]  }
0xb0: {  	v9 =	vld [tilespmem:s25+$0x10800]  }
0xb1: {  	v10 =	vld [tilespmem:s25+$0x10810]  }
0xb2: {  	v11 =	vld [tilespmem:s25+$0x10820]  }
0xb3: {  	v12 =	vld [tilespmem:s25+$0x10830]  }
0xb4: {  	v13 =	vld [tilespmem:s25+$0x10840]  }
0xb5: {  	v14 =	vld [tilespmem:s25+$0x10850]  }
0xb6: {  	v15 =	vld [tilespmem:s25+$0x10860]  }
0xb7: {  	v8 =	vmul.f32 $1.250000000e+01, v8;
	v10 =	vmul.f32 $1.250000000e+01, v10  }
0xb8: {  	v11 =	vmul.f32 $1.250000000e+01, v11;
	v12 =	vmul.f32 $1.250000000e+01, v12  }
0xb9: {  	v13 =	vmul.f32 $1.250000000e+01, v13;
	v8 =	vadd.f32 $4.950000000e+01, v8;
	v10 =	vadd.f32 $4.950000000e+01, v10  }
0xba: {  	v9 =	vmul.f32 $1.250000000e+01, v9;
	v11 =	vadd.f32 $4.950000000e+01, v11;
	v17 =	vadd.f32 $4.950000000e+01, v12  }
0xbb: {  	v12 =	vmul.f32 $1.250000000e+01, v14;
	v18 =	vadd.f32 $4.950000000e+01, v13;
	v13 =	vmul.f32 $1.250000000e+01, v15  }
0xbc: {  	v9 =	vadd.f32 $4.950000000e+01, v9;
	v16 =	vmax.f32 v8, $-5.000000000e-01;
	v15 =	vmax.f32 v10, $-5.000000000e-01  }
0xbd: {  	v19 =	vadd.f32 $4.950000000e+01, v12;
	v20 =	vmax.f32 v11, $-5.000000000e-01;
	v21 =	vadd.f32 $4.950000000e+01, v13  }
0xbe: {  	v13 =	vmax.f32 v17, $-5.000000000e-01;
	v22 =	vmax.f32 v18, $-5.000000000e-01;
	v16 =	vmin.f32 v16, $9.750000760e+01  }
0xbf: {  	v15 =	vmin.f32 v15, $9.750000760e+01;
	v20 =	vmin.f32 v20, $9.750000760e+01;
	v14 =	vadd.f32 $1.258291200e+07, v16  }
0xc0: {  	v13 =	vmin.f32 v13, $9.750000760e+01;
	v22 =	vmin.f32 v22, $9.750000760e+01;
	v16 =	vmax.f32 v9, $-5.000000000e-01  }
0xc1: {  	v23 =	vmax.f32 v19, $-5.000000000e-01;
	v24 =	vmax.f32 v21, $-5.000000000e-01;
	v12 =	vshll.u32 v14, $0x8  }
0xc2: {  	v15 =	vadd.f32 $1.258291200e+07, v15;
	v20 =	vadd.f32 $1.258291200e+07, v20;
	v12 =	vand.u32 $0x3FF00, v12  }
0xc3: {  	s29 =	simm.s32 $0x80;
	v13 =	vadd.f32 $1.258291200e+07, v13;
	v22 =	vadd.f32 $1.258291200e+07, v22;
	v12 =	vor.u32 s0, v12  }
0xc4: {  	s28 =	sand.u32 $0x80, s29;
	v16 =	vmin.f32 v16, $9.750000760e+01;
	v14 =	vadd.f32 $-1.258291200e+07, v14;
	v12 =	vor.u32 v7, v12  }
0xc5: {  	s30 =	simm.s32 $0x40;
	s31 =	sshll.u32 s28, $0x3;
	s26 =	sand.u32 $0x3800, s29;
	v23 =	vmin.f32 v23, $9.750000760e+01;
	v24 =	vmin.f32 v24, $9.750000760e+01;
	v29 =	vshll.u32 v13, $0x8  }
0xc6: {  	s4 =	sor.u32 s26, s31;
	s31 =	sand.u32 $0x380, s30;
	v16 =	vadd.f32 $1.258291200e+07, v16;
	v8 =	vsub.f32 v8, v14;
	v14 =	vand.u32 $0x3FF00, v29  }
0xc7: {  	s26 =	sor.u32 s31, s4;
	v23 =	vadd.f32 $1.258291200e+07, v23;
	v26 =	vshll.u32 v15, $0x8;
	v14 =	vor.u32 s0, v14  }
0xc8: {  	v28 =	vshll.u32 v20, $0x8;
	v36 =	vor.u32 v3, v14;
	v14 =	vadd.f32 $-1.258291200e+07, v15;
	v15 =	vld [tilespmem:s26+$0x10800]  }
0xc9: {  	v24 =	vadd.f32 $1.258291200e+07, v24;
	v30 =	vshll.u32 v22, $0x8;
	v22 =	vadd.f32 $-1.258291200e+07, v22;
	v27 =	vld.idx.msk [tilespmem:v12+s13+$0x0], $0xffff  }
0xca: {  	v26 =	vand.u32 $0x3FF00, v26;
	v28 =	vand.u32 $0x3FF00, v28;
	v25 =	vshll.u32 v16, $0x8  }
0xcb: {  	v31 =	vshll.u32 v23, $0x8;
	v32 =	vshll.u32 v24, $0x8;
	v29 =	vand.u32 $0x3FF00, v30  }
0xcc: {  	v26 =	vor.u32 s0, v26;
	v23 =	vadd.f32 $-1.258291200e+07, v23;
	v25 =	vand.u32 $0x3FF00, v25;
	v12 =	vld.idx.msk [tilespmem:v12+s6+$0x0], $0xffff  }
0xcd: {  	v30 =	vand.u32 $0x3FF00, v31;
	v31 =	vand.u32 $0x3FF00, v32;
	v62 =	vor.u32 v1, v26  }
0xce: {  	v25 =	vor.u32 s0, v25;
	v15 =	vmul.f32 $1.250000000e+01, v15;
	v8 =	vmul.f32 v8, v27  }
0xcf: {  	v26 =	vld [tilespmem:s26+$0x10810];
	v27 =	vor.u32 s0, v28;
	v28 =	vor.u32 s0, v29;
	v29 =	vor.u32 s0, v30  }
0xd0: {  	v30 =	vor.u32 v0, v25;
	v25 =	vld [tilespmem:s26+$0x10870];
	v43 =	vor.u32 v4, v28;
	v44 =	vor.u32 v5, v29  }
0xd1: {  	v34 =	vadd.f32 v8, v12;
	v8 =	vor.u32 s0, v31;
	v12 =	vadd.f32 $-1.258291200e+07, v16  }
0xd2: {  	v31 =	vor.u32 v2, v27;
	v16 =	vadd.f32 $-1.258291200e+07, v20;
	v20 =	vadd.f32 $-1.258291200e+07, v13;
	v27 =	vld [tilespmem:s26+$0x10820]  }
0xd3: {  	v13 =	vsub.f32 v10, v14;
	v48 =	vor.u32 v6, v8;
	v8 =	vadd.f32 $-1.258291200e+07, v24;
	v24 =	vld [tilespmem:s26+$0x10830]  }
0xd4: {  	v29 =	vld [tilespmem:s26+$0x10840];
	v28 =	vsub.f32 v9, v12;
	v12 =	vsub.f32 v11, v16;
	v16 =	vmul.f32 $1.250000000e+01, v26  }
0xd5: {  	v10 =	vsub.f32 v18, v22;
	v11 =	vsub.f32 v17, v20;
	v20 =	vld [tilespmem:s26+$0x10850];
	v14 =	vmul.f32 $1.250000000e+01, v25  }
0xd6: {  	v9 =	vsub.f32 v19, v23;
	v16 =	vadd.f32 $4.950000000e+01, v16  }
0xd7: {  	v22 =	vld [tilespmem:s26+$0x10860];
	v45 =	vadd.f32 $4.950000000e+01, v14;
	v14 =	vadd.f32 $4.950000000e+01, v15;
	v15 =	vmul.f32 $1.250000000e+01, v27  }
0xd8: {  	v8 =	vsub.f32 v21, v8;
	v18 =	vmul.f32 $1.250000000e+01, v24;
	v25 =	vmax.f32 v16, $-5.000000000e-01  }
0xd9: {  	v19 =	vmax.f32 v45, $-5.000000000e-01;
	v17 =	vadd.f32 $4.950000000e+01, v15;
	v15 =	vmul.f32 $1.250000000e+01, v29  }
0xda: {  	v20 =	vmul.f32 $1.250000000e+01, v20;
	v21 =	vmax.f32 v14, $-5.000000000e-01;
	v19 =	vmin.f32 v19, $9.750000760e+01  }
0xdb: {  	v39 =	vmin.f32 v25, $9.750000760e+01;
	v18 =	vadd.f32 $4.950000000e+01, v18;
	v29 =	vadd.f32 $1.258291200e+07, v19  }
0xdc: {  	v21 =	vmin.f32 v21, $9.750000760e+01;
	v19 =	vadd.f32 $4.950000000e+01, v15;
	v15 =	vmul.f32 $1.250000000e+01, v22  }
0xdd: {  	v32 =	vld.idx.msk [tilespmem:v44+s6+$0x0], $0xffff;
	v20 =	vadd.f32 $4.950000000e+01, v20;
	v26 =	vmax.f32 v17, $-5.000000000e-01;
	v22 =	vshll.u32 v29, $0x8  }
0xde: {  	v27 =	vld.idx.msk [tilespmem:v30+s13+$0x0], $0xffff;
	v42 =	vadd.f32 $1.258291200e+07, v21;
	v33 =	vmax.f32 v18, $-5.000000000e-01;
	v23 =	vand.u32 $0x3FF00, v22  }
0xdf: {  	[tilespmem:s25+$0x18870] =	vst v34;
	v34 =	vld.idx.msk [tilespmem:v48+s6+$0x0], $0xffff;
	v40 =	vmin.f32 v26, $9.750000760e+01;
	v15 =	vadd.f32 $4.950000000e+01, v15;
	v24 =	vor.u32 s28, v23  }
0xe0: {  	v25 =	vld.idx.msk [tilespmem:v43+s13+$0x0], $0xffff;
	v35 =	vmax.f32 v19, $-5.000000000e-01;
	v37 =	vmax.f32 v20, $-5.000000000e-01;
	v46 =	vor.u32 v7, v24  }
0xe1: {  	v21 =	vld.idx.msk [tilespmem:v48+s13+$0x0], $0xffff;
	v33 =	vmin.f32 v33, $9.750000760e+01;
	v40 =	vadd.f32 $1.258291200e+07, v40;
	v29 =	vadd.f32 $-1.258291200e+07, v29  }
0xe2: {  	v26 =	vld.idx.msk [tilespmem:v44+s13+$0x0], $0xffff;
	v35 =	vmin.f32 v35, $9.750000760e+01;
	v47 =	vmin.f32 v37, $9.750000760e+01;
	v37 =	vadd.f32 $1.258291200e+07, v39  }
0xe3: {  	v22 =	vld.idx.msk [tilespmem:v62+s13+$0x0], $0xffff;
	v38 =	vmax.f32 v15, $-5.000000000e-01;
	v41 =	vadd.f32 $1.258291200e+07, v35;
	v39 =	vadd.f32 $1.258291200e+07, v47  }
0xe4: {  	v49 =	vmin.f32 v38, $9.750000760e+01;
	v38 =	vadd.f32 $1.258291200e+07, v33;
	v33 =	vmul.f32 v28, v27;
	v27 =	vld.idx.msk [tilespmem:v30+s6+$0x0], $0xffff  }
0xe5: {  	v51 =	vshll.u32 v40, $0x8;
	v54 =	vsub.f32 v45, v29;
	v30 =	vshll.u32 v42, $0x8;
	v63 =	vld.idx.msk [tilespmem:v46+s13+$0x0], $0xffff  }
0xe6: {  	v50 =	vshll.u32 v37, $0x8;
	v28 =	vld.idx.msk [tilespmem:v62+s6+$0x0], $0xffff;
	v51 =	vand.u32 $0x3FF00, v51;
	v35 =	vadd.f32 $1.258291200e+07, v49  }
0xe7: {  	v61 =	vshll.u32 v41, $0x8;
	v62 =	vand.u32 $0x3FF00, v30;
	v53 =	vshll.u32 v39, $0x8;
	v52 =	vld.idx.msk [tilespmem:v46+s6+$0x0], $0xffff  }
0xe8: {  	v23 =	vld.idx.msk [tilespmem:v31+s13+$0x0], $0xffff;
	v50 =	vand.u32 $0x3FF00, v50;
	v60 =	vshll.u32 v38, $0x8;
	v57 =	vand.u32 $0x3FF00, v61  }
0xe9: {  	v29 =	vld.idx.msk [tilespmem:v31+s6+$0x0], $0xffff;
	v53 =	vand.u32 $0x3FF00, v53;
	v45 =	vor.u32 s28, v62;
	v49 =	vor.u32 s28, v50  }
0xea: {  	v24 =	vld.idx.msk [tilespmem:v36+s13+$0x0], $0xffff;
	v55 =	vshll.u32 v35, $0x8;
	v56 =	vand.u32 $0x3FF00, v60;
	v63 =	vmul.f32 v54, v63  }
0xeb: {  	v30 =	vld.idx.msk [tilespmem:v36+s6+$0x0], $0xffff;
	v48 =	vor.u32 s28, v57;
	v44 =	vor.u32 s28, v53;
	v36 =	vand.u32 $0x3FF00, v55  }
0xec: {  	v31 =	vld.idx.msk [tilespmem:v43+s6+$0x0], $0xffff;
	v47 =	vor.u32 s28, v56;
	v46 =	vor.u32 s28, v51;
	v43 =	vadd.f32 v63, v52  }
.LBB2_9:
0xed: {  	s29 =	sadd.s32 $0x80, s29;
	v45 =	vor.u32 v0, v45;
	v49 =	vor.u32 v1, v49;
	v36 =	vor.u32 s28, v36  }
0xee: {  	v46 =	vor.u32 v2, v46;
	v47 =	vor.u32 v3, v47;
	v48 =	vor.u32 v4, v48;
	s28 =	sand.u32 $0x80, s29;
	p0 =	slt.u32 s29, $0x3F80;
	[tilespmem:s26+$0x18870] =	vst v43  }
0xef: {  	v42 =	vadd.f32 $-1.258291200e+07, v42;
	s30 =	sadd.s32 $0x40, s30;
	s0 =	sand.u32 $0x3800, s29;
	v43 =	vor.u32 v5, v44;
	v36 =	vor.u32 v6, v36;
	s4 =	sshll.u32 s28, $0x3  }
0xf0: {  	v37 =	vadd.f32 $-1.258291200e+07, v37;
	v40 =	vadd.f32 $-1.258291200e+07, v40;
	v22 =	vmul.f32 v13, v22;
	s0 =	sor.u32 s0, s4;
	s4 =	sand.u32 $0x380, s30  }
0xf1: {  	v38 =	vadd.f32 $-1.258291200e+07, v38;
	v41 =	vadd.f32 $-1.258291200e+07, v41;
	v23 =	vmul.f32 v12, v23;
	s0 =	sor.u32 s4, s0  }
0xf2: {  	v39 =	vadd.f32 $-1.258291200e+07, v39;
	v35 =	vadd.f32 $-1.258291200e+07, v35;
	v24 =	vmul.f32 v11, v24;
	v44 =	vld [tilespmem:s0+$0x10870]  }
0xf3: {  	v51 =	vsub.f32 v14, v42;
	v13 =	vsub.f32 v16, v37;
	v14 =	vmul.f32 v10, v25;
	v50 =	vld [tilespmem:s0+$0x10800]  }
0xf4: {  	v12 =	vsub.f32 v17, v40;
	v11 =	vsub.f32 v18, v38;
	v17 =	vmul.f32 v9, v26;
	v16 =	vld [tilespmem:s0+$0x10810]  }
0xf5: {  	v10 =	vsub.f32 v19, v41;
	v9 =	vsub.f32 v20, v39;
	v19 =	vmul.f32 v8, v21;
	v18 =	vld [tilespmem:s0+$0x10820]  }
0xf6: {  	v8 =	vsub.f32 v15, v35;
	v15 =	vadd.f32 v33, v27;
	v20 =	vld [tilespmem:s0+$0x10830]  }
0xf7: {  	v22 =	vadd.f32 v22, v28;
	v23 =	vadd.f32 v23, v29;
	v21 =	vld [tilespmem:s0+$0x10840];
	v25 =	vmul.f32 $1.250000000e+01, v44  }
0xf8: {  	v26 =	vmul.f32 $1.250000000e+01, v50;
	v27 =	vld [tilespmem:s0+$0x10850];
	[tilespmem:s25+$0x18800] =	vst v15;
	v15 =	vadd.f32 v24, v30;
	v24 =	vadd.f32 v14, v31  }
0xf9: {  	v16 =	vmul.f32 $1.250000000e+01, v16;
	v28 =	vld [tilespmem:s0+$0x10860];
	v44 =	vadd.f32 $4.950000000e+01, v25;
	[tilespmem:s25+$0x18810] =	vst v22;
	v25 =	vadd.f32 v17, v32  }
0xfa: {  	v14 =	vadd.f32 $4.950000000e+01, v26;
	v17 =	vmul.f32 $1.250000000e+01, v18;
	v32 =	vld.idx.msk [tilespmem:v45+s13+$0x0], $0xffff;
	[tilespmem:s25+$0x18820] =	vst v23;
	v26 =	vadd.f32 v19, v34  }
0xfb: {  	v16 =	vadd.f32 $4.950000000e+01, v16;
	v18 =	vmul.f32 $1.250000000e+01, v20;
	v19 =	vmax.f32 v44, $-5.000000000e-01;
	v22 =	vld.idx.msk [tilespmem:v49+s13+$0x0], $0xffff;
	[tilespmem:s25+$0x18830] =	vst v15  }
0xfc: {  	v17 =	vadd.f32 $4.950000000e+01, v17;
	v15 =	vmul.f32 $1.250000000e+01, v21;
	v19 =	vmin.f32 v19, $9.750000760e+01;
	v23 =	vld.idx.msk [tilespmem:v46+s13+$0x0], $0xffff;
	[tilespmem:s25+$0x18840] =	vst v24  }
0xfd: {  	v18 =	vadd.f32 $4.950000000e+01, v18;
	v20 =	vmul.f32 $1.250000000e+01, v27;
	v50 =	vadd.f32 $1.258291200e+07, v19;
	v24 =	vld.idx.msk [tilespmem:v47+s13+$0x0], $0xffff;
	[tilespmem:s25+$0x18850] =	vst v25  }
0xfe: {  	v29 =	vmax.f32 v14, $-5.000000000e-01;
	v19 =	vadd.f32 $4.950000000e+01, v15;
	v15 =	vmul.f32 $1.250000000e+01, v28;
	v25 =	vld.idx.msk [tilespmem:v48+s13+$0x0], $0xffff;
	[tilespmem:s25+$0x18860] =	vst v26;
	s25 =	smov.u32 s26;
	s26 =	smov.u32 s0  }
0xff: {  	v30 =	vmax.f32 v16, $-5.000000000e-01;
	v20 =	vadd.f32 $4.950000000e+01, v20;
	v21 =	vshll.u32 v50, $0x8;
	v26 =	vld.idx.msk [tilespmem:v43+s13+$0x0], $0xffff  }
0x100: {  	v31 =	vmax.f32 v17, $-5.000000000e-01;
	v15 =	vadd.f32 $4.950000000e+01, v15;
	v27 =	vand.u32 $0x3FF00, v21;
	v21 =	vld.idx.msk [tilespmem:v36+s13+$0x0], $0xffff  }
0x101: {  	v33 =	vmax.f32 v18, $-5.000000000e-01;
	v34 =	vmax.f32 v19, $-5.000000000e-01;
	v28 =	vor.u32 s28, v27;
	v27 =	vld.idx.msk [tilespmem:v45+s6+$0x0], $0xffff  }
0x102: {  	v35 =	vmax.f32 v20, $-5.000000000e-01;
	v38 =	vmax.f32 v15, $-5.000000000e-01;
	v45 =	vor.u32 v7, v28;
	v28 =	vld.idx.msk [tilespmem:v49+s6+$0x0], $0xffff  }
0x103: {  	v37 =	vmin.f32 v29, $9.750000760e+01;
	v39 =	vmin.f32 v30, $9.750000760e+01;
	v40 =	vmin.f32 v31, $9.750000760e+01;
	v29 =	vld.idx.msk [tilespmem:v46+s6+$0x0], $0xffff  }
0x104: {  	v33 =	vmin.f32 v33, $9.750000760e+01;
	v34 =	vmin.f32 v34, $9.750000760e+01;
	v35 =	vmin.f32 v35, $9.750000760e+01;
	v30 =	vld.idx.msk [tilespmem:v47+s6+$0x0], $0xffff  }
0x105: {  	v42 =	vadd.f32 $1.258291200e+07, v37;
	v37 =	vadd.f32 $1.258291200e+07, v39;
	v46 =	vmin.f32 v38, $9.750000760e+01;
	v31 =	vld.idx.msk [tilespmem:v48+s6+$0x0], $0xffff  }
0x106: {  	v40 =	vadd.f32 $1.258291200e+07, v40;
	v38 =	vadd.f32 $1.258291200e+07, v33;
	v33 =	vmul.f32 v51, v32;
	v32 =	vld.idx.msk [tilespmem:v43+s6+$0x0], $0xffff  }
0x107: {  	v41 =	vadd.f32 $1.258291200e+07, v34;
	v39 =	vadd.f32 $1.258291200e+07, v35;
	v43 =	vshll.u32 v42, $0x8;
	v47 =	vld.idx.msk [tilespmem:v45+s13+$0x0], $0xffff  }
0x108: {  	v49 =	vshll.u32 v40, $0x8;
	v35 =	vadd.f32 $1.258291200e+07, v46;
	v48 =	vshll.u32 v37, $0x8;
	v34 =	vld.idx.msk [tilespmem:v36+s6+$0x0], $0xffff  }
0x109: {  	v50 =	vadd.f32 $-1.258291200e+07, v50;
	v46 =	vshll.u32 v41, $0x8;
	v36 =	vshll.u32 v38, $0x8;
	v51 =	vld.idx.msk [tilespmem:v45+s6+$0x0], $0xffff  }
0x10a: {  	v52 =	vshll.u32 v35, $0x8;
	v43 =	vand.u32 $0x3FF00, v43;
	v45 =	vshll.u32 v39, $0x8  }
.Ltmp4:
0x10b: {  	v44 =	vsub.f32 v44, v50;
	v53 =	vand.u32 $0x3FF00, v49;
	v48 =	vand.u32 $0x3FF00, v48;
	(pc) =	sbr.rel @p0 .LBB2_9-.Ltmp4, $4  }
0x10c: {  	v54 =	vand.u32 $0x3FF00, v46;
	v50 =	vand.u32 $0x3FF00, v36;
	v55 =	vand.u32 $0x3FF00, v45  }
0x10d: {  	v36 =	vand.u32 $0x3FF00, v52;
	v45 =	vor.u32 s28, v43;
	v43 =	vmul.f32 v44, v47  }
0x10e: {  	v46 =	vor.u32 s28, v53;
	v49 =	vor.u32 s28, v48;
	v47 =	vor.u32 s28, v50  }
0x10f: {  	v48 =	vor.u32 s28, v54;
	v44 =	vor.u32 s28, v55;
	v43 =	vadd.f32 v43, v51  }
0x110: {  	v45 =	vor.u32 v0, v45  }
0x111: {  	v49 =	vor.u32 v1, v49  }
0x112: {  	v46 =	vor.u32 v2, v46  }
0x113: {  	v47 =	vor.u32 v3, v47  }
0x114: {  	v48 =	vor.u32 v4, v48  }
0x115: {  	v44 =	vor.u32 v5, v44;
	v42 =	vadd.f32 $-1.258291200e+07, v42;
	v50 =	vld.idx.msk [tilespmem:v45+s13+$0x0], $0xffff  }
0x116: {  	v37 =	vadd.f32 $-1.258291200e+07, v37;
	v40 =	vadd.f32 $-1.258291200e+07, v40;
	v13 =	vmul.f32 v13, v22;
	v51 =	vld.idx.msk [tilespmem:v49+s13+$0x0], $0xffff  }
0x117: {  	v60 =	vadd.f32 $-1.258291200e+07, v38;
	v41 =	vadd.f32 $-1.258291200e+07, v41;
	v12 =	vmul.f32 v12, v23;
	v61 =	vld.idx.msk [tilespmem:v46+s13+$0x0], $0xffff  }
0x118: {  	v62 =	vadd.f32 $-1.258291200e+07, v39;
	v11 =	vmul.f32 v11, v24;
	v10 =	vmul.f32 v10, v25;
	v63 =	vld.idx.msk [tilespmem:v47+s13+$0x0], $0xffff  }
0x119: {  	v9 =	vmul.f32 v9, v26;
	v8 =	vmul.f32 v8, v21;
	v14 =	vsub.f32 v14, v42;
	v42 =	vld.idx.msk [tilespmem:v48+s13+$0x0], $0xffff  }
0x11a: {  	v36 =	vor.u32 s28, v36;
	[tilespmem:s26+$0x18870] =	vst v43;
	v43 =	vadd.f32 v33, v27;
	v16 =	vsub.f32 v16, v37;
	v52 =	vld.idx.msk [tilespmem:v44+s13+$0x0], $0xffff  }
0x11b: {  	v36 =	vor.u32 v6, v36;
	v17 =	vsub.f32 v17, v40;
	v13 =	vadd.f32 v13, v28;
	v54 =	vld.idx.msk [tilespmem:v45+s6+$0x0], $0xffff  }
0x11c: {  	v18 =	vsub.f32 v18, v60;
	v12 =	vadd.f32 v12, v29;
	[tilespmem:s25+$0x18800] =	vst v43;
	v55 =	vld.idx.msk [tilespmem:v49+s6+$0x0], $0xffff  }
0x11d: {  	v19 =	vsub.f32 v19, v41;
	v11 =	vadd.f32 v11, v30;
	[tilespmem:s25+$0x18810] =	vst v13;
	v56 =	vld.idx.msk [tilespmem:v46+s6+$0x0], $0xffff  }
0x11e: {  	v20 =	vsub.f32 v20, v62;
	v10 =	vadd.f32 v10, v31;
	[tilespmem:s25+$0x18820] =	vst v12;
	v57 =	vld.idx.msk [tilespmem:v47+s6+$0x0], $0xffff  }
0x11f: {  	v9 =	vadd.f32 v9, v32;
	[tilespmem:s25+$0x18830] =	vst v11;
	v58 =	vld.idx.msk [tilespmem:v48+s6+$0x0], $0xffff;
	v14 =	vmul.f32 v14, v50  }
0x120: {  	v8 =	vadd.f32 v8, v34;
	[tilespmem:s25+$0x18840] =	vst v10;
	v53 =	vld.idx.msk [tilespmem:v36+s13+$0x0], $0xffff;
	v16 =	vmul.f32 v16, v51  }
0x121: {  	v59 =	vadd.f32 $-1.258291200e+07, v35;
	[tilespmem:s25+$0x18850] =	vst v9;
	v60 =	vld.idx.msk [tilespmem:v44+s6+$0x0], $0xffff;
	v17 =	vmul.f32 v17, v61;
	v14 =	vadd.f32 v14, v54  }
0x122: {  	[tilespmem:s25+$0x18860] =	vst v8;
	v8 =	vld.idx.msk [tilespmem:v36+s6+$0x0], $0xffff;
	v18 =	vmul.f32 v18, v63;
	v13 =	vadd.f32 v16, v55  }
0x123: {  	v15 =	vsub.f32 v15, v59;
	v61 =	vmul.f32 v19, v42;
	v12 =	vadd.f32 v17, v56;
	[tilespmem:s26+$0x18800] =	vst v14  }
0x124: {  	s23 =	sadd.s32 $0x1, s23;
	v62 =	vmul.f32 v20, v52;
	v11 =	vadd.f32 v18, v57;
	[tilespmem:s26+$0x18810] =	vst v13  }
0x125: {  	p0 =	sne.s32 s23, $0x10;
	v63 =	vmul.f32 v15, v53;
	v10 =	vadd.f32 v61, v58;
	[tilespmem:s26+$0x18820] =	vst v12  }
.Ltmp5:
0x126: {  	v9 =	vadd.f32 v62, v60;
	[tilespmem:s26+$0x18830] =	vst v11;
	(pc) =	sbr.rel @p0 .LBB2_2-.Ltmp5, $4  }
0x127: {  	v8 =	vadd.f32 v63, v8;
	[tilespmem:s26+$0x18840] =	vst v10  }
0x128: {  	[tilespmem:s26+$0x18850] =	vst v9  }
0x129: {  	s0 =	sadd.s32 s5, s24;
	[tilespmem:s26+$0x18860] =	vst v8  }
0x12a: {  	[hbm4b:s0+s6] =	stream.linear.scatter [tilespmem:s20], [sflag:$0x4], $0x4000, $0x38;
	[tilespmem:$0x1C800] =	vst v63  }
0x12b: {  	s22 =	sadd.s32 $0x1, s22  }
0x12c: {  	_ =	swait.ge [sflag:s21], $0x4000;
	p0 =	sne.s32 s22, s11  }
.Ltmp6:
0x12d: {  	[sflag:s21] =	ssyncset.done $0x0;
	(pc) =	sbr.rel @p0 .LBB2_1-.Ltmp6, $4  }
0x12e: {  	[sflag:s21] =	ssyncadd.s32 $0xFFFFC000  }
0x12f: {  	_ =	swait.ge [sflag:s19], $0x4000  }
0x130: {  	[sflag:s19] =	ssyncset.done $0x0  }
0x131: {  	[sflag:s19] =	ssyncadd.s32 $0xFFFFC000  }
0x132: {  	_ =	sfence.sel $0x180000  }
0x133: {  	[bflag:$0x0] =	sbarrier.arrive $0xFFFF  }
0x134: {  	_ =	strace $0x90000047  }
0x135: {  	s0 =	stileid.u32;
	[bflag:$0x2] =	sbarrier.arrive $0xFFFF  }
0x136: {  	p0 =	sne.s32 s0, $0x0;
	s0 =	rddreg [dreg:$0x4]  }
0x137: {  	s0 =	sadd.s32 @!p0 $0x100000, s0  }
0x138: {  	[sflag:s0] =	ssyncadd.tile.s32 @!p0 $0x1;
	_ =	shalt  }
.Lfunc_end2:
_tile_overlayer_lowered:
.L_overlay_start_2:
0x139: {  	(tag) =	ssettag $0x2  }
0x13a: {  	s0 =	rddreg [dreg:$0x0];
	s2 =	stileid.u32  }
0x13b: {  	s1 =	rddreg [dreg:$0x1];
	p0 =	sne.s32 s2, $0x0  }
0x13c: {  	s3 =	rddreg [dreg:$0x2];
	[bflag:$0x3] =	sbarrier.arrive $0xFFFF;
	s2 =	simm.s32 @!p0 $0x1C05  }
0x13d: {  	[timem:s3], [sflag:s2] =	dma.local @!p0 [hbm:s0], s1  }
0x13e: {  	s0 =	simm.s32 @!p0 $0x5  }
0x13f: {  	_ =	swait.ge @!p0 [sflag:s0], s1  }
0x140: {  	s1 =	ssub.s32 @!p0 $0x0, s1;
	[sflag:s0] =	ssyncset.done @!p0 $0x0  }
0x141: {  	[sflag:s0] =	ssyncadd.s32 @!p0 s1  }
0x142: {  	[bflag:$0x3] =	sbarrier.arrive $0xFFFF  }
0x143: {  	_ =	shalt  }

</sc_bundles>
